<compile_context>
chip_gen: v7x
topology: tpu7x:2x2x1
jax: 0.10.2.dev20260603
libtpu: 0.0.44.dev20260713+nightly
codegen_flags: <defaults>
</compile_context>

<pallas_src>
import jax
import jax.numpy as jnp
from jax import lax
from jax.experimental import pallas as pl
from jax.experimental.pallas import tpu as pltpu
from jax.experimental.pallas import tpu_sc as plsc

_N = 10000
_E = 320000
_D = 128
_G = 64
_NC = 2
_NS = 16
_NW = _NC * _NS
_EPT = _E // _NW
_CH = 80
_NCHUNK = _EPT // _CH
_NPAD = 10240
_RPT = _NPAD // _NS


def _sc_msg():
    mesh = plsc.VectorSubcoreMesh(core_axis_name="c", subcore_axis_name="s")
    out_type = jax.ShapeDtypeStruct((_NC, _NPAD, _D), jnp.float32)
    scratch = [
        pltpu.VMEM_SHARED((_NPAD, _D), jnp.float32),
        pltpu.VMEM((_CH,), jnp.int32),
        pltpu.VMEM((_CH,), jnp.int32),
        pltpu.VMEM((_CH, _D), jnp.float32),
        pltpu.SemaphoreType.DMA,
    ]

    def body(h_hbm, src_hbm, dst_hbm, z_hbm, msg_out,
             msg_sp, sidx, didx, rows, sem):
        c = lax.axis_index("c")
        s = lax.axis_index("s")
        wid = c * _NS + s
        pltpu.sync_copy(z_hbm, msg_sp.at[pl.ds(s * _RPT, _RPT)])
        plsc.subcore_barrier()
        base = wid * _EPT

        def chunk(ci, carry):
            off = base + ci * _CH
            pltpu.sync_copy(src_hbm.at[pl.ds(off, _CH)], sidx)
            pltpu.sync_copy(dst_hbm.at[pl.ds(off, _CH)], didx)
            pltpu.async_copy(h_hbm.at[sidx], rows, sem).wait()
            pltpu.sync_copy(rows, msg_sp.at[didx], add=True)
            return carry

        lax.fori_loop(0, _NCHUNK, chunk, 0)
        plsc.subcore_barrier()
        pltpu.sync_copy(msg_sp.at[pl.ds(s * _RPT, _RPT)],
                        msg_out.at[c, pl.ds(s * _RPT, _RPT)])

    return pl.kernel(body, out_type=out_type, mesh=mesh,
                     scratch_types=scratch)


def _sc_deg():
    mesh = plsc.VectorSubcoreMesh(core_axis_name="c", subcore_axis_name="s")
    out_type = jax.ShapeDtypeStruct((_NC, _NPAD, _D), jnp.float32)
    scratch = [
        pltpu.VMEM_SHARED((_NPAD, _D), jnp.float32),
        pltpu.VMEM((_CH,), jnp.int32),
        pltpu.VMEM((_CH, _D), jnp.float32),
    ]

    def body(dst_hbm, z_hbm, ones_hbm, deg_out, deg_sp, didx, ones_v):
        c = lax.axis_index("c")
        s = lax.axis_index("s")
        wid = c * _NS + s
        pltpu.sync_copy(z_hbm, deg_sp.at[pl.ds(s * _RPT, _RPT)])
        pltpu.sync_copy(ones_hbm, ones_v)
        plsc.subcore_barrier()
        base = wid * _EPT

        def chunk(ci, carry):
            off = base + ci * _CH
            pltpu.sync_copy(dst_hbm.at[pl.ds(off, _CH)], didx)
            pltpu.sync_copy(ones_v, deg_sp.at[didx], add=True)
            return carry

        lax.fori_loop(0, _NCHUNK, chunk, 0)
        plsc.subcore_barrier()
        pltpu.sync_copy(deg_sp.at[pl.ds(s * _RPT, _RPT)],
                        deg_out.at[c, pl.ds(s * _RPT, _RPT)])

    return pl.kernel(body, out_type=out_type, mesh=mesh,
                     scratch_types=scratch)


_SC_MSG = _sc_msg()
_SC_DEG = _sc_deg()


def _tc_input(x, w_t, b):
    def body(x_ref, w_ref, b_ref, o_ref):
        o_ref[...] = jnp.maximum(
            jnp.dot(x_ref[...], w_ref[...],
                    preferred_element_type=jnp.float32) + b_ref[...], 0.0)
    return pl.pallas_call(
        body, out_shape=jax.ShapeDtypeStruct((_N, _D), jnp.float32),
    )(x, w_t, b)


def _tc_update_first(h, m, deg):
    def body(h_ref, m_ref, deg_ref, o_ref, rd_ref):
        dsum = (deg_ref[0, pl.ds(0, _N), 0:1]
                + deg_ref[1, pl.ds(0, _N), 0:1])
        rd = 1.0 / jnp.maximum(dsum, 1.0)
        rd_ref[...] = rd
        o_ref[...] = (0.5 * h_ref[...]
                      + (0.5 * rd) * (m_ref[0, pl.ds(0, _N), :]
                                      + m_ref[1, pl.ds(0, _N), :]))
    return pl.pallas_call(
        body, out_shape=[jax.ShapeDtypeStruct((_N, _D), jnp.float32),
                         jax.ShapeDtypeStruct((_N, 1), jnp.float32)],
    )(h, m, deg)


def _tc_update(h, m, rd):
    def body(h_ref, m_ref, rd_ref, o_ref):
        o_ref[...] = (0.5 * h_ref[...]
                      + (0.5 * rd_ref[...]) * (m_ref[0, pl.ds(0, _N), :]
                                               + m_ref[1, pl.ds(0, _N), :]))
    return pl.pallas_call(
        body, out_shape=jax.ShapeDtypeStruct((_N, _D), jnp.float32),
    )(h, m, rd)


def _tc_s2s(h2, m, rd, batch_col, wih_t, whh_t, b_g, wpred_t, bp):
    def body(h_ref, m_ref, rd_ref, bc_ref, wih_ref, whh_ref, bg_ref,
             wp_ref, bp_ref, o_ref):
        h = (0.5 * h_ref[...]
             + (0.5 * rd_ref[...]) * (m_ref[0, pl.ds(0, _N), :]
                                      + m_ref[1, pl.ds(0, _N), :]))
        onehot = (bc_ref[...] ==
                  lax.broadcasted_iota(jnp.int32, (_N, _G), 1)
                  ).astype(jnp.float32)
        q_star = jnp.zeros((_G, 2 * _D), jnp.float32)
        hs = jnp.zeros((_G, _D), jnp.float32)
        cs = jnp.zeros((_G, _D), jnp.float32)
        for _ in range(3):
            gates = (jnp.dot(q_star, wih_ref[...],
                             preferred_element_type=jnp.float32)
                     + jnp.dot(hs, whh_ref[...],
                               preferred_element_type=jnp.float32)
                     + bg_ref[...])
            i_g = jax.nn.sigmoid(gates[:, :_D])
            f_g = jax.nn.sigmoid(gates[:, _D:2 * _D])
            g_g = jnp.tanh(gates[:, 2 * _D:3 * _D])
            o_g = jax.nn.sigmoid(gates[:, 3 * _D:])
            cs = f_g * cs + i_g * g_g
            hs = o_g * jnp.tanh(cs)
            q = hs
            scores = lax.dot_general(h, q, (((1,), (1,)), ((), ())),
                                     preferred_element_type=jnp.float32)
            masked = jnp.where(onehot > 0, scores, -1e30)
            seg_max = jnp.max(masked, axis=0, keepdims=True)
            e_max = jnp.max(jnp.where(onehot > 0, seg_max, -1e30),
                            axis=1, keepdims=True)
            e = jnp.sum(onehot * scores, axis=1, keepdims=True)
            a = jnp.exp(e - e_max)
            r_num = lax.dot_general(onehot, a * h,
                                    (((0,), (0,)), ((), ())),
                                    preferred_element_type=jnp.float32)
            a_sum = lax.dot_general(onehot, a,
                                    (((0,), (0,)), ((), ())),
                                    preferred_element_type=jnp.float32)
            r = r_num / jnp.maximum(a_sum, 1e-30)
            q_star = jnp.concatenate([q, r], axis=1)
        o_ref[...] = (jnp.dot(q_star, wp_ref[...],
                              preferred_element_type=jnp.float32)
                      + bp_ref[...])
    return pl.pallas_call(
        body, out_shape=jax.ShapeDtypeStruct((_G, 1), jnp.float32),
    )(h2, m, rd, batch_col, wih_t, whh_t, b_g, wpred_t, bp)


def kernel(x, edge_index, batch, W_in, b_in, W_ih, W_hh, b_ih, b_hh,
           W_pred, b_pred):
    x = x.astype(jnp.float32)
    src = edge_index[0].astype(jnp.int32)
    dst = edge_index[1].astype(jnp.int32)
    z = jnp.zeros((_RPT, _D), jnp.float32)
    ones = jnp.ones((_CH, _D), jnp.float32)

    deg = _SC_DEG(dst, z, ones)
    h0 = _tc_input(x, W_in.T, b_in.reshape(1, _D))
    msg = _SC_MSG(h0, src, dst, z)
    h1, rd = _tc_update_first(h0, msg, deg)
    msg = _SC_MSG(h1, src, dst, z)
    h2 = _tc_update(h1, msg, rd)
    msg = _SC_MSG(h2, src, dst, z)
    return _tc_s2s(h2, msg, rd,
                   batch.reshape(_N, 1).astype(jnp.int32),
                   W_ih.T, W_hh.T, (b_ih + b_hh).reshape(1, 4 * _D),
                   W_pred.T, b_pred.reshape(1, 1))

# --- scband reference (transcript-rebuilt; emitter-appended) ---
"""Pipeline reference for scband-model-12283606468269 (READ-ONLY COPY).

The authoritative reference and input builder live on the scoring server;
editing this copy changes nothing except your own understanding.
"""

import jax, jax.numpy as jnp
import numpy as np

N_NODES = 10000
N_EDGES = 320000
D = 128
NUM_GRAPHS = 64
MPNN_STEPS = 3
S2S_STEPS = 3


def setup_inputs(seed: int = 0) -> dict:
    key = jax.random.key(seed)
    ks = jax.random.split(key, 8)
    x = jax.random.normal(ks[0], (N_NODES, D), dtype=jnp.float32)
    edge_index = jax.random.randint(ks[1], (2, N_EDGES), 0, N_NODES)
    batch = jnp.sort(jax.random.randint(ks[2], (N_NODES,), 0, NUM_GRAPHS))
    W_in = jax.random.normal(ks[3], (D, D), dtype=jnp.float32) * (1.0 / np.sqrt(D))
    b_in = jnp.zeros((D,), dtype=jnp.float32)
    W_ih = jax.random.normal(ks[4], (4 * D, 2 * D), dtype=jnp.float32) * (1.0 / np.sqrt(2 * D))
    W_hh = jax.random.normal(ks[5], (4 * D, D), dtype=jnp.float32) * (1.0 / np.sqrt(D))
    b_ih = jnp.zeros((4 * D,), dtype=jnp.float32)
    b_hh = jnp.zeros((4 * D,), dtype=jnp.float32)
    W_pred = jax.random.normal(ks[6], (1, 2 * D), dtype=jnp.float32) * (1.0 / np.sqrt(2 * D))
    b_pred = jnp.zeros((1,), dtype=jnp.float32)
    return {"x": x, "edge_index": edge_index, "batch": batch,
            "W_in": W_in, "b_in": b_in, "W_ih": W_ih, "W_hh": W_hh,
            "b_ih": b_ih, "b_hh": b_hh, "W_pred": W_pred, "b_pred": b_pred}


def _forward(x, W_in, b_in, W_ih, W_hh, b_ih, b_hh, W_pred, b_pred, edge_index, batch):
    # input_layer + ReLU
    h = jax.nn.relu(x @ W_in.T + b_in)
    # MPNN steps: mean-aggregate source features at destination, then average update
    src = edge_index[0]
    dst = edge_index[1]
    deg = jax.ops.segment_sum(jnp.ones((N_EDGES,), h.dtype), dst, num_segments=N_NODES)
    deg = jnp.maximum(deg, 1.0)
    for _ in range(MPNN_STEPS):
        msg = jax.ops.segment_sum(h[src], dst, num_segments=N_NODES) / deg[:, None]
        h = (h + msg) / 2.0
    # Set2Set readout (LSTM with input 2D -> hidden D, PyTorch gate order i,f,g,o)
    q_star = jnp.zeros((NUM_GRAPHS, 2 * D), h.dtype)
    hs = jnp.zeros((NUM_GRAPHS, D), h.dtype)
    cs = jnp.zeros((NUM_GRAPHS, D), h.dtype)
    for _ in range(S2S_STEPS):
        gates = q_star @ W_ih.T + b_ih + hs @ W_hh.T + b_hh
        i_g, f_g, g_g, o_g = jnp.split(gates, 4, axis=1)
        i_g = jax.nn.sigmoid(i_g)
        f_g = jax.nn.sigmoid(f_g)
        g_g = jnp.tanh(g_g)
        o_g = jax.nn.sigmoid(o_g)
        cs = f_g * cs + i_g * g_g
        hs = o_g * jnp.tanh(cs)
        q = hs
        e = jnp.sum(h * q[batch], axis=1)
        e_max = jax.ops.segment_max(e, batch, num_segments=NUM_GRAPHS)
        a = jnp.exp(e - e_max[batch])
        a_sum = jax.ops.segment_sum(a, batch, num_segments=NUM_GRAPHS)
        a = a / a_sum[batch]
        r = jax.ops.segment_sum(a[:, None] * h, batch, num_segments=NUM_GRAPHS)
        q_star = jnp.concatenate([q, r], axis=1)
    # prediction layer
    return q_star @ W_pred.T + b_pred


def reference(x, edge_index, batch, W_in, b_in, W_ih, W_hh, b_ih, b_hh, W_pred, b_pred):
    return _forward(x, W_in, b_in, W_ih, W_hh, b_ih, b_hh, W_pred, b_pred, edge_index, batch)

if __name__ == "__main__":
    import jax
    _d = setup_inputs()
    print(jax.jit(kernel)(*tuple(_d.values())))

</pallas_src>

<mosaic_0001>
#map = affine_map<(d0, d1) -> (0, 0)>
#map1 = affine_map<(d0, d1) -> (0)>
#map2 = affine_map<(d0, d1) -> (0, 0, 0)>
module attributes {stable_mosaic.version = 14 : i64} {
  func.func @body(%arg0: i32, %arg1: i32, %arg2: memref<10000x128xf32, #tpu.memory_space<hbm>>, %arg3: memref<320000xi32, #tpu.memory_space<hbm>>, %arg4: memref<320000xi32, #tpu.memory_space<hbm>>, %arg5: memref<640x128xf32, #tpu.memory_space<hbm>>, %arg6: memref<2x10240x128xf32, #tpu.memory_space<hbm>>, %arg7: memref<10240x128xf32, #tpu.memory_space<vmem_shared>>, %arg8: memref<80xi32, #tpu.memory_space<vmem>>, %arg9: memref<80xi32, #tpu.memory_space<vmem>>, %arg10: memref<80x128xf32, #tpu.memory_space<vmem>>, %arg11: memref<!tpu.dma_semaphore, #tpu.memory_space<semaphore_mem>>) attributes {dimension_semantics = [#tpu.dimension_semantics<core_parallel>, #tpu.dimension_semantics<subcore_parallel>], iteration_bounds = array<i64: 2, 16>, scalar_prefetch = 0 : i64, scratch_operands = 5 : i64, tpu.core_type = #tpu.core_type<sc_vector_subcore>, window_params = [{transform_indices = #map}, {transform_indices = #map1}, {transform_indices = #map1}, {transform_indices = #map}, {transform_indices = #map2}]} {
    %mul3A = arith.constant 16 : i32
    %mul3A_0 = arith.muli %arg0, %mul3A : i32
    %add3A = arith.addi %mul3A_0, %arg1 : i32
    %mul3A_1 = arith.constant 640 : i32
    %mul3A_2 = arith.muli %arg1, %mul3A_1 : i32
    "tpu.region"() ({
      %run_scoped3A = tpu.sem_alloc : memref<!tpu.dma_semaphore, #tpu.memory_space<semaphore_mem>>
      %dma_start3A = arith.constant 0 : i32
      %dma_start3A_15 = tpu.memref_slice %arg7[%mul3A_2, %dma_start3A] : memref<10240x128xf32, #tpu.memory_space<vmem_shared>> -> memref<640x128xf32, #tpu.memory_space<vmem_shared>>
      tpu.enqueue_dma source(%arg5 : memref<640x128xf32, #tpu.memory_space<hbm>>) target(%dma_start3A_15 : memref<640x128xf32, #tpu.memory_space<vmem_shared>>) target_semaphore(%run_scoped3A : memref<!tpu.dma_semaphore, #tpu.memory_space<semaphore_mem>>)
      %dma_wait3A = arith.constant 0 : i32
      %dma_wait3A_16 = tpu.memref_slice %arg7[%mul3A_2, %dma_wait3A] : memref<10240x128xf32, #tpu.memory_space<vmem_shared>> -> memref<640x128xf32, #tpu.memory_space<vmem_shared>>
      tpu.wait_dma2 semaphore(%run_scoped3A : memref<!tpu.dma_semaphore, #tpu.memory_space<semaphore_mem>>) src(%arg5 : memref<640x128xf32, #tpu.memory_space<hbm>>) dst(%dma_wait3A_16 : memref<640x128xf32, #tpu.memory_space<vmem_shared>>)
      tpu.yield
    }) : () -> ()
    %barrier3A = arith.constant 0 : index
    tpu.barrier barrier_id(%barrier3A)
    %mul3A_3 = arith.constant 10000 : i32
    %mul3A_4 = arith.muli %add3A, %mul3A_3 : i32
    %scan3A = arith.constant 0 : i32
    %scan3A_5 = arith.constant 0 : i32
    %scan3A_6 = arith.constant 125 : i32
    %scan3A_7 = arith.addi %scan3A_5, %scan3A_6 : i32
    %scan3A_8 = arith.constant 1 : i32
    scf.for %scan3A_15 = %scan3A_5 to %scan3A_7 step %scan3A_8  : i32 {
      %mul3A_16 = arith.constant 80 : i32
      %mul3A_17 = arith.muli %scan3A_15, %mul3A_16 : i32
      %add3A_18 = arith.addi %mul3A_4, %mul3A_17 : i32
      "tpu.region"() ({
        %run_scoped3A = tpu.sem_alloc : memref<!tpu.dma_semaphore, #tpu.memory_space<semaphore_mem>>
        %dma_start3A_23 = tpu.memref_slice %arg3[%add3A_18] : memref<320000xi32, #tpu.memory_space<hbm>> -> memref<80xi32, #tpu.memory_space<hbm>>
        %dma_start3A_24 = tpu.memref_slice %arg3[%add3A_18] : memref<320000xi32, #tpu.memory_space<hbm>> -> memref<80xi32, #tpu.memory_space<hbm>>
        tpu.enqueue_dma source(%dma_start3A_24 : memref<80xi32, #tpu.memory_space<hbm>>) target(%arg8 : memref<80xi32, #tpu.memory_space<vmem>>) target_semaphore(%run_scoped3A : memref<!tpu.dma_semaphore, #tpu.memory_space<semaphore_mem>>)
        %dma_wait3A_25 = tpu.memref_slice %arg3[%add3A_18] : memref<320000xi32, #tpu.memory_space<hbm>> -> memref<80xi32, #tpu.memory_space<hbm>>
        %dma_wait3A_26 = tpu.memref_slice %arg3[%add3A_18] : memref<320000xi32, #tpu.memory_space<hbm>> -> memref<80xi32, #tpu.memory_space<hbm>>
        tpu.wait_dma2 semaphore(%run_scoped3A : memref<!tpu.dma_semaphore, #tpu.memory_space<semaphore_mem>>) src(%dma_wait3A_26 : memref<80xi32, #tpu.memory_space<hbm>>) dst(%arg8 : memref<80xi32, #tpu.memory_space<vmem>>)
        tpu.yield
      }) : () -> ()
      "tpu.region"() ({
        %run_scoped3A = tpu.sem_alloc : memref<!tpu.dma_semaphore, #tpu.memory_space<semaphore_mem>>
        %dma_start3A_23 = tpu.memref_slice %arg4[%add3A_18] : memref<320000xi32, #tpu.memory_space<hbm>> -> memref<80xi32, #tpu.memory_space<hbm>>
        %dma_start3A_24 = tpu.memref_slice %arg4[%add3A_18] : memref<320000xi32, #tpu.memory_space<hbm>> -> memref<80xi32, #tpu.memory_space<hbm>>
        tpu.enqueue_dma source(%dma_start3A_24 : memref<80xi32, #tpu.memory_space<hbm>>) target(%arg9 : memref<80xi32, #tpu.memory_space<vmem>>) target_semaphore(%run_scoped3A : memref<!tpu.dma_semaphore, #tpu.memory_space<semaphore_mem>>)
        %dma_wait3A_25 = tpu.memref_slice %arg4[%add3A_18] : memref<320000xi32, #tpu.memory_space<hbm>> -> memref<80xi32, #tpu.memory_space<hbm>>
        %dma_wait3A_26 = tpu.memref_slice %arg4[%add3A_18] : memref<320000xi32, #tpu.memory_space<hbm>> -> memref<80xi32, #tpu.memory_space<hbm>>
        tpu.wait_dma2 semaphore(%run_scoped3A : memref<!tpu.dma_semaphore, #tpu.memory_space<semaphore_mem>>) src(%dma_wait3A_26 : memref<80xi32, #tpu.memory_space<hbm>>) dst(%arg9 : memref<80xi32, #tpu.memory_space<vmem>>)
        tpu.yield
      }) : () -> ()
      %dma_start3A = arith.constant 0 : i32
      %dma_start3A_19 = arith.constant 0 : i32
      %dma_start3A_20 = tpu.memref_slice %arg2[%dma_start3A, %dma_start3A_19] : memref<10000x128xf32, #tpu.memory_space<hbm>> -> memref<10000x128xf32, #tpu.memory_space<hbm>>
      tpu.enqueue_indirect_dma source(%dma_start3A_20 : memref<10000x128xf32, #tpu.memory_space<hbm>>) target(%arg10 : memref<80x128xf32, #tpu.memory_space<vmem>>) offsets(%arg8 : memref<80xi32, #tpu.memory_space<vmem>>) semaphore(%arg11 : memref<!tpu.dma_semaphore, #tpu.memory_space<semaphore_mem>>)
      %dma_wait3A = arith.constant 0 : i32
      %dma_wait3A_21 = arith.constant 0 : i32
      %dma_wait3A_22 = tpu.memref_slice %arg2[%dma_wait3A, %dma_wait3A_21] : memref<10000x128xf32, #tpu.memory_space<hbm>> -> memref<10000x128xf32, #tpu.memory_space<hbm>>
      tpu.wait_indirect_dma semaphore(%arg11 : memref<!tpu.dma_semaphore, #tpu.memory_space<semaphore_mem>>) src(%dma_wait3A_22 : memref<10000x128xf32, #tpu.memory_space<hbm>>) dst(%arg10 : memref<80x128xf32, #tpu.memory_space<vmem>>)
      "tpu.region"() ({
        %run_scoped3A = tpu.sem_alloc : memref<!tpu.dma_semaphore, #tpu.memory_space<semaphore_mem>>
        %dma_start3A_23 = arith.constant 0 : i32
        %dma_start3A_24 = arith.constant 0 : i32
        %dma_start3A_25 = tpu.memref_slice %arg7[%dma_start3A_23, %dma_start3A_24] : memref<10240x128xf32, #tpu.memory_space<vmem_shared>> -> memref<10240x128xf32, #tpu.memory_space<vmem_shared>>
        tpu.enqueue_indirect_dma source(%arg10 : memref<80x128xf32, #tpu.memory_space<vmem>>) target(%dma_start3A_25 : memref<10240x128xf32, #tpu.memory_space<vmem_shared>>) offsets(%arg9 : memref<80xi32, #tpu.memory_space<vmem>>) semaphore(%run_scoped3A : memref<!tpu.dma_semaphore, #tpu.memory_space<semaphore_mem>>) {add = true}
        %dma_wait3A_26 = arith.constant 0 : i32
        %dma_wait3A_27 = arith.constant 0 : i32
        %dma_wait3A_28 = tpu.memref_slice %arg7[%dma_wait3A_26, %dma_wait3A_27] : memref<10240x128xf32, #tpu.memory_space<vmem_shared>> -> memref<10240x128xf32, #tpu.memory_space<vmem_shared>>
        tpu.wait_indirect_dma semaphore(%run_scoped3A : memref<!tpu.dma_semaphore, #tpu.memory_space<semaphore_mem>>) src(%arg10 : memref<80x128xf32, #tpu.memory_space<vmem>>) dst(%dma_wait3A_28 : memref<10240x128xf32, #tpu.memory_space<vmem_shared>>)
        tpu.yield
      }) : () -> ()
    }
    %scan3A_9 = arith.constant 125 : i32
    %barrier3A_10 = arith.constant 0 : index
    tpu.barrier barrier_id(%barrier3A_10)
    %mul3A_11 = arith.constant 640 : i32
    %mul3A_12 = arith.muli %arg1, %mul3A_11 : i32
    %mul3A_13 = arith.constant 640 : i32
    %mul3A_14 = arith.muli %arg1, %mul3A_13 : i32
    "tpu.region"() ({
      %run_scoped3A = tpu.sem_alloc : memref<!tpu.dma_semaphore, #tpu.memory_space<semaphore_mem>>
      %dma_start3A = arith.constant 0 : i32
      %dma_start3A_15 = tpu.memref_slice %arg6[%arg0, %mul3A_14, %dma_start3A] : memref<2x10240x128xf32, #tpu.memory_space<hbm>> -> memref<1x640x128xf32, #tpu.memory_space<hbm>>
      %dma_start3A_16 = tpu.memref_squeeze %dma_start3A_15 : memref<1x640x128xf32, #tpu.memory_space<hbm>> -> memref<640x128xf32, #tpu.memory_space<hbm>>
      %dma_start3A_17 = arith.constant 0 : i32
      %dma_start3A_18 = tpu.memref_slice %arg7[%mul3A_12, %dma_start3A_17] : memref<10240x128xf32, #tpu.memory_space<vmem_shared>> -> memref<640x128xf32, #tpu.memory_space<vmem_shared>>
      tpu.enqueue_dma source(%dma_start3A_18 : memref<640x128xf32, #tpu.memory_space<vmem_shared>>) target(%dma_start3A_16 : memref<640x128xf32, #tpu.memory_space<hbm>>) target_semaphore(%run_scoped3A : memref<!tpu.dma_semaphore, #tpu.memory_space<semaphore_mem>>)
      %dma_wait3A = arith.constant 0 : i32
      %dma_wait3A_19 = tpu.memref_slice %arg6[%arg0, %mul3A_14, %dma_wait3A] : memref<2x10240x128xf32, #tpu.memory_space<hbm>> -> memref<1x640x128xf32, #tpu.memory_space<hbm>>
      %dma_wait3A_20 = tpu.memref_squeeze %dma_wait3A_19 : memref<1x640x128xf32, #tpu.memory_space<hbm>> -> memref<640x128xf32, #tpu.memory_space<hbm>>
      %dma_wait3A_21 = arith.constant 0 : i32
      %dma_wait3A_22 = tpu.memref_slice %arg7[%mul3A_12, %dma_wait3A_21] : memref<10240x128xf32, #tpu.memory_space<vmem_shared>> -> memref<640x128xf32, #tpu.memory_space<vmem_shared>>
      tpu.wait_dma2 semaphore(%run_scoped3A : memref<!tpu.dma_semaphore, #tpu.memory_space<semaphore_mem>>) src(%dma_wait3A_22 : memref<640x128xf32, #tpu.memory_space<vmem_shared>>) dst(%dma_wait3A_20 : memref<640x128xf32, #tpu.memory_space<hbm>>)
      tpu.yield
    }) : () -> ()
    return
  }
}

#map = affine_map<(d0, d1) -> (0)>
#map1 = affine_map<(d0, d1) -> (0, 0)>
#map2 = affine_map<(d0, d1) -> (0, 0, 0)>
module attributes {stable_mosaic.version = 14 : i64} {
  func.func @body(%arg0: i32, %arg1: i32, %arg2: memref<320000xi32, #tpu.memory_space<hbm>>, %arg3: memref<640x128xf32, #tpu.memory_space<hbm>>, %arg4: memref<80x128xf32, #tpu.memory_space<hbm>>, %arg5: memref<2x10240x128xf32, #tpu.memory_space<hbm>>, %arg6: memref<10240x128xf32, #tpu.memory_space<vmem_shared>>, %arg7: memref<80xi32, #tpu.memory_space<vmem>>, %arg8: memref<80x128xf32, #tpu.memory_space<vmem>>) attributes {dimension_semantics = [#tpu.dimension_semantics<core_parallel>, #tpu.dimension_semantics<subcore_parallel>], iteration_bounds = array<i64: 2, 16>, scalar_prefetch = 0 : i64, scratch_operands = 3 : i64, tpu.core_type = #tpu.core_type<sc_vector_subcore>, window_params = [{transform_indices = #map}, {transform_indices = #map1}, {transform_indices = #map1}, {transform_indices = #map2}]} {
    %mul3A = arith.constant 16 : i32
    %mul3A_0 = arith.muli %arg0, %mul3A : i32
    %add3A = arith.addi %mul3A_0, %arg1 : i32
    %mul3A_1 = arith.constant 640 : i32
    %mul3A_2 = arith.muli %arg1, %mul3A_1 : i32
    "tpu.region"() ({
      %run_scoped3A = tpu.sem_alloc : memref<!tpu.dma_semaphore, #tpu.memory_space<semaphore_mem>>
      %dma_start3A = arith.constant 0 : i32
      %dma_start3A_15 = tpu.memref_slice %arg6[%mul3A_2, %dma_start3A] : memref<10240x128xf32, #tpu.memory_space<vmem_shared>> -> memref<640x128xf32, #tpu.memory_space<vmem_shared>>
      tpu.enqueue_dma source(%arg3 : memref<640x128xf32, #tpu.memory_space<hbm>>) target(%dma_start3A_15 : memref<640x128xf32, #tpu.memory_space<vmem_shared>>) target_semaphore(%run_scoped3A : memref<!tpu.dma_semaphore, #tpu.memory_space<semaphore_mem>>)
      %dma_wait3A = arith.constant 0 : i32
      %dma_wait3A_16 = tpu.memref_slice %arg6[%mul3A_2, %dma_wait3A] : memref<10240x128xf32, #tpu.memory_space<vmem_shared>> -> memref<640x128xf32, #tpu.memory_space<vmem_shared>>
      tpu.wait_dma2 semaphore(%run_scoped3A : memref<!tpu.dma_semaphore, #tpu.memory_space<semaphore_mem>>) src(%arg3 : memref<640x128xf32, #tpu.memory_space<hbm>>) dst(%dma_wait3A_16 : memref<640x128xf32, #tpu.memory_space<vmem_shared>>)
      tpu.yield
    }) : () -> ()
    "tpu.region"() ({
      %run_scoped3A = tpu.sem_alloc : memref<!tpu.dma_semaphore, #tpu.memory_space<semaphore_mem>>
      tpu.enqueue_dma source(%arg4 : memref<80x128xf32, #tpu.memory_space<hbm>>) target(%arg8 : memref<80x128xf32, #tpu.memory_space<vmem>>) target_semaphore(%run_scoped3A : memref<!tpu.dma_semaphore, #tpu.memory_space<semaphore_mem>>)
      tpu.wait_dma2 semaphore(%run_scoped3A : memref<!tpu.dma_semaphore, #tpu.memory_space<semaphore_mem>>) src(%arg4 : memref<80x128xf32, #tpu.memory_space<hbm>>) dst(%arg8 : memref<80x128xf32, #tpu.memory_space<vmem>>)
      tpu.yield
    }) : () -> ()
    %barrier3A = arith.constant 0 : index
    tpu.barrier barrier_id(%barrier3A)
    %mul3A_3 = arith.constant 10000 : i32
    %mul3A_4 = arith.muli %add3A, %mul3A_3 : i32
    %scan3A = arith.constant 0 : i32
    %scan3A_5 = arith.constant 0 : i32
    %scan3A_6 = arith.constant 125 : i32
    %scan3A_7 = arith.addi %scan3A_5, %scan3A_6 : i32
    %scan3A_8 = arith.constant 1 : i32
    scf.for %scan3A_15 = %scan3A_5 to %scan3A_7 step %scan3A_8  : i32 {
      %mul3A_16 = arith.constant 80 : i32
      %mul3A_17 = arith.muli %scan3A_15, %mul3A_16 : i32
      %add3A_18 = arith.addi %mul3A_4, %mul3A_17 : i32
      "tpu.region"() ({
        %run_scoped3A = tpu.sem_alloc : memref<!tpu.dma_semaphore, #tpu.memory_space<semaphore_mem>>
        %dma_start3A = tpu.memref_slice %arg2[%add3A_18] : memref<320000xi32, #tpu.memory_space<hbm>> -> memref<80xi32, #tpu.memory_space<hbm>>
        %dma_start3A_19 = tpu.memref_slice %arg2[%add3A_18] : memref<320000xi32, #tpu.memory_space<hbm>> -> memref<80xi32, #tpu.memory_space<hbm>>
        tpu.enqueue_dma source(%dma_start3A_19 : memref<80xi32, #tpu.memory_space<hbm>>) target(%arg7 : memref<80xi32, #tpu.memory_space<vmem>>) target_semaphore(%run_scoped3A : memref<!tpu.dma_semaphore, #tpu.memory_space<semaphore_mem>>)
        %dma_wait3A = tpu.memref_slice %arg2[%add3A_18] : memref<320000xi32, #tpu.memory_space<hbm>> -> memref<80xi32, #tpu.memory_space<hbm>>
        %dma_wait3A_20 = tpu.memref_slice %arg2[%add3A_18] : memref<320000xi32, #tpu.memory_space<hbm>> -> memref<80xi32, #tpu.memory_space<hbm>>
        tpu.wait_dma2 semaphore(%run_scoped3A : memref<!tpu.dma_semaphore, #tpu.memory_space<semaphore_mem>>) src(%dma_wait3A_20 : memref<80xi32, #tpu.memory_space<hbm>>) dst(%arg7 : memref<80xi32, #tpu.memory_space<vmem>>)
        tpu.yield
      }) : () -> ()
      "tpu.region"() ({
        %run_scoped3A = tpu.sem_alloc : memref<!tpu.dma_semaphore, #tpu.memory_space<semaphore_mem>>
        %dma_start3A = arith.constant 0 : i32
        %dma_start3A_19 = arith.constant 0 : i32
        %dma_start3A_20 = tpu.memref_slice %arg6[%dma_start3A, %dma_start3A_19] : memref<10240x128xf32, #tpu.memory_space<vmem_shared>> -> memref<10240x128xf32, #tpu.memory_space<vmem_shared>>
        tpu.enqueue_indirect_dma source(%arg8 : memref<80x128xf32, #tpu.memory_space<vmem>>) target(%dma_start3A_20 : memref<10240x128xf32, #tpu.memory_space<vmem_shared>>) offsets(%arg7 : memref<80xi32, #tpu.memory_space<vmem>>) semaphore(%run_scoped3A : memref<!tpu.dma_semaphore, #tpu.memory_space<semaphore_mem>>) {add = true}
        %dma_wait3A = arith.constant 0 : i32
        %dma_wait3A_21 = arith.constant 0 : i32
        %dma_wait3A_22 = tpu.memref_slice %arg6[%dma_wait3A, %dma_wait3A_21] : memref<10240x128xf32, #tpu.memory_space<vmem_shared>> -> memref<10240x128xf32, #tpu.memory_space<vmem_shared>>
        tpu.wait_indirect_dma semaphore(%run_scoped3A : memref<!tpu.dma_semaphore, #tpu.memory_space<semaphore_mem>>) src(%arg8 : memref<80x128xf32, #tpu.memory_space<vmem>>) dst(%dma_wait3A_22 : memref<10240x128xf32, #tpu.memory_space<vmem_shared>>)
        tpu.yield
      }) : () -> ()
    }
    %scan3A_9 = arith.constant 125 : i32
    %barrier3A_10 = arith.constant 0 : index
    tpu.barrier barrier_id(%barrier3A_10)
    %mul3A_11 = arith.constant 640 : i32
    %mul3A_12 = arith.muli %arg1, %mul3A_11 : i32
    %mul3A_13 = arith.constant 640 : i32
    %mul3A_14 = arith.muli %arg1, %mul3A_13 : i32
    "tpu.region"() ({
      %run_scoped3A = tpu.sem_alloc : memref<!tpu.dma_semaphore, #tpu.memory_space<semaphore_mem>>
      %dma_start3A = arith.constant 0 : i32
      %dma_start3A_15 = tpu.memref_slice %arg5[%arg0, %mul3A_14, %dma_start3A] : memref<2x10240x128xf32, #tpu.memory_space<hbm>> -> memref<1x640x128xf32, #tpu.memory_space<hbm>>
      %dma_start3A_16 = tpu.memref_squeeze %dma_start3A_15 : memref<1x640x128xf32, #tpu.memory_space<hbm>> -> memref<640x128xf32, #tpu.memory_space<hbm>>
      %dma_start3A_17 = arith.constant 0 : i32
      %dma_start3A_18 = tpu.memref_slice %arg6[%mul3A_12, %dma_start3A_17] : memref<10240x128xf32, #tpu.memory_space<vmem_shared>> -> memref<640x128xf32, #tpu.memory_space<vmem_shared>>
      tpu.enqueue_dma source(%dma_start3A_18 : memref<640x128xf32, #tpu.memory_space<vmem_shared>>) target(%dma_start3A_16 : memref<640x128xf32, #tpu.memory_space<hbm>>) target_semaphore(%run_scoped3A : memref<!tpu.dma_semaphore, #tpu.memory_space<semaphore_mem>>)
      %dma_wait3A = arith.constant 0 : i32
      %dma_wait3A_19 = tpu.memref_slice %arg5[%arg0, %mul3A_14, %dma_wait3A] : memref<2x10240x128xf32, #tpu.memory_space<hbm>> -> memref<1x640x128xf32, #tpu.memory_space<hbm>>
      %dma_wait3A_20 = tpu.memref_squeeze %dma_wait3A_19 : memref<1x640x128xf32, #tpu.memory_space<hbm>> -> memref<640x128xf32, #tpu.memory_space<hbm>>
      %dma_wait3A_21 = arith.constant 0 : i32
      %dma_wait3A_22 = tpu.memref_slice %arg6[%mul3A_12, %dma_wait3A_21] : memref<10240x128xf32, #tpu.memory_space<vmem_shared>> -> memref<640x128xf32, #tpu.memory_space<vmem_shared>>
      tpu.wait_dma2 semaphore(%run_scoped3A : memref<!tpu.dma_semaphore, #tpu.memory_space<semaphore_mem>>) src(%dma_wait3A_22 : memref<640x128xf32, #tpu.memory_space<vmem_shared>>) dst(%dma_wait3A_20 : memref<640x128xf32, #tpu.memory_space<hbm>>)
      tpu.yield
    }) : () -> ()
    return
  }
}

#map = affine_map<(d0, d1) -> (0, 0)>
#map1 = affine_map<(d0, d1) -> (0)>
#map2 = affine_map<(d0, d1) -> (0, 0, 0)>
module attributes {stable_mosaic.version = 14 : i64} {
  func.func @body(%arg0: i32, %arg1: i32, %arg2: memref<10000x128xf32, #tpu.memory_space<hbm>>, %arg3: memref<320000xi32, #tpu.memory_space<hbm>>, %arg4: memref<320000xi32, #tpu.memory_space<hbm>>, %arg5: memref<640x128xf32, #tpu.memory_space<hbm>>, %arg6: memref<2x10240x128xf32, #tpu.memory_space<hbm>>, %arg7: memref<10240x128xf32, #tpu.memory_space<vmem_shared>>, %arg8: memref<80xi32, #tpu.memory_space<vmem>>, %arg9: memref<80xi32, #tpu.memory_space<vmem>>, %arg10: memref<80x128xf32, #tpu.memory_space<vmem>>, %arg11: memref<!tpu.dma_semaphore, #tpu.memory_space<semaphore_mem>>) attributes {dimension_semantics = [#tpu.dimension_semantics<core_parallel>, #tpu.dimension_semantics<subcore_parallel>], iteration_bounds = array<i64: 2, 16>, scalar_prefetch = 0 : i64, scratch_operands = 5 : i64, tpu.core_type = #tpu.core_type<sc_vector_subcore>, window_params = [{transform_indices = #map}, {transform_indices = #map1}, {transform_indices = #map1}, {transform_indices = #map}, {transform_indices = #map2}]} {
    %mul3A = arith.constant 16 : i32
    %mul3A_0 = arith.muli %arg0, %mul3A : i32
    %add3A = arith.addi %mul3A_0, %arg1 : i32
    %mul3A_1 = arith.constant 640 : i32
    %mul3A_2 = arith.muli %arg1, %mul3A_1 : i32
    "tpu.region"() ({
      %run_scoped3A = tpu.sem_alloc : memref<!tpu.dma_semaphore, #tpu.memory_space<semaphore_mem>>
      %dma_start3A = arith.constant 0 : i32
      %dma_start3A_15 = tpu.memref_slice %arg7[%mul3A_2, %dma_start3A] : memref<10240x128xf32, #tpu.memory_space<vmem_shared>> -> memref<640x128xf32, #tpu.memory_space<vmem_shared>>
      tpu.enqueue_dma source(%arg5 : memref<640x128xf32, #tpu.memory_space<hbm>>) target(%dma_start3A_15 : memref<640x128xf32, #tpu.memory_space<vmem_shared>>) target_semaphore(%run_scoped3A : memref<!tpu.dma_semaphore, #tpu.memory_space<semaphore_mem>>)
      %dma_wait3A = arith.constant 0 : i32
      %dma_wait3A_16 = tpu.memref_slice %arg7[%mul3A_2, %dma_wait3A] : memref<10240x128xf32, #tpu.memory_space<vmem_shared>> -> memref<640x128xf32, #tpu.memory_space<vmem_shared>>
      tpu.wait_dma2 semaphore(%run_scoped3A : memref<!tpu.dma_semaphore, #tpu.memory_space<semaphore_mem>>) src(%arg5 : memref<640x128xf32, #tpu.memory_space<hbm>>) dst(%dma_wait3A_16 : memref<640x128xf32, #tpu.memory_space<vmem_shared>>)
      tpu.yield
    }) : () -> ()
    %barrier3A = arith.constant 0 : index
    tpu.barrier barrier_id(%barrier3A)
    %mul3A_3 = arith.constant 10000 : i32
    %mul3A_4 = arith.muli %add3A, %mul3A_3 : i32
    %scan3A = arith.constant 0 : i32
    %scan3A_5 = arith.constant 0 : i32
    %scan3A_6 = arith.constant 125 : i32
    %scan3A_7 = arith.addi %scan3A_5, %scan3A_6 : i32
    %scan3A_8 = arith.constant 1 : i32
    scf.for %scan3A_15 = %scan3A_5 to %scan3A_7 step %scan3A_8  : i32 {
      %mul3A_16 = arith.constant 80 : i32
      %mul3A_17 = arith.muli %scan3A_15, %mul3A_16 : i32
      %add3A_18 = arith.addi %mul3A_4, %mul3A_17 : i32
      "tpu.region"() ({
        %run_scoped3A = tpu.sem_alloc : memref<!tpu.dma_semaphore, #tpu.memory_space<semaphore_mem>>
        %dma_start3A_23 = tpu.memref_slice %arg3[%add3A_18] : memref<320000xi32, #tpu.memory_space<hbm>> -> memref<80xi32, #tpu.memory_space<hbm>>
        %dma_start3A_24 = tpu.memref_slice %arg3[%add3A_18] : memref<320000xi32, #tpu.memory_space<hbm>> -> memref<80xi32, #tpu.memory_space<hbm>>
        tpu.enqueue_dma source(%dma_start3A_24 : memref<80xi32, #tpu.memory_space<hbm>>) target(%arg8 : memref<80xi32, #tpu.memory_space<vmem>>) target_semaphore(%run_scoped3A : memref<!tpu.dma_semaphore, #tpu.memory_space<semaphore_mem>>)
        %dma_wait3A_25 = tpu.memref_slice %arg3[%add3A_18] : memref<320000xi32, #tpu.memory_space<hbm>> -> memref<80xi32, #tpu.memory_space<hbm>>
        %dma_wait3A_26 = tpu.memref_slice %arg3[%add3A_18] : memref<320000xi32, #tpu.memory_space<hbm>> -> memref<80xi32, #tpu.memory_space<hbm>>
        tpu.wait_dma2 semaphore(%run_scoped3A : memref<!tpu.dma_semaphore, #tpu.memory_space<semaphore_mem>>) src(%dma_wait3A_26 : memref<80xi32, #tpu.memory_space<hbm>>) dst(%arg8 : memref<80xi32, #tpu.memory_space<vmem>>)
        tpu.yield
      }) : () -> ()
      "tpu.region"() ({
        %run_scoped3A = tpu.sem_alloc : memref<!tpu.dma_semaphore, #tpu.memory_space<semaphore_mem>>
        %dma_start3A_23 = tpu.memref_slice %arg4[%add3A_18] : memref<320000xi32, #tpu.memory_space<hbm>> -> memref<80xi32, #tpu.memory_space<hbm>>
        %dma_start3A_24 = tpu.memref_slice %arg4[%add3A_18] : memref<320000xi32, #tpu.memory_space<hbm>> -> memref<80xi32, #tpu.memory_space<hbm>>
        tpu.enqueue_dma source(%dma_start3A_24 : memref<80xi32, #tpu.memory_space<hbm>>) target(%arg9 : memref<80xi32, #tpu.memory_space<vmem>>) target_semaphore(%run_scoped3A : memref<!tpu.dma_semaphore, #tpu.memory_space<semaphore_mem>>)
        %dma_wait3A_25 = tpu.memref_slice %arg4[%add3A_18] : memref<320000xi32, #tpu.memory_space<hbm>> -> memref<80xi32, #tpu.memory_space<hbm>>
        %dma_wait3A_26 = tpu.memref_slice %arg4[%add3A_18] : memref<320000xi32, #tpu.memory_space<hbm>> -> memref<80xi32, #tpu.memory_space<hbm>>
        tpu.wait_dma2 semaphore(%run_scoped3A : memref<!tpu.dma_semaphore, #tpu.memory_space<semaphore_mem>>) src(%dma_wait3A_26 : memref<80xi32, #tpu.memory_space<hbm>>) dst(%arg9 : memref<80xi32, #tpu.memory_space<vmem>>)
        tpu.yield
      }) : () -> ()
      %dma_start3A = arith.constant 0 : i32
      %dma_start3A_19 = arith.constant 0 : i32
      %dma_start3A_20 = tpu.memref_slice %arg2[%dma_start3A, %dma_start3A_19] : memref<10000x128xf32, #tpu.memory_space<hbm>> -> memref<10000x128xf32, #tpu.memory_space<hbm>>
      tpu.enqueue_indirect_dma source(%dma_start3A_20 : memref<10000x128xf32, #tpu.memory_space<hbm>>) target(%arg10 : memref<80x128xf32, #tpu.memory_space<vmem>>) offsets(%arg8 : memref<80xi32, #tpu.memory_space<vmem>>) semaphore(%arg11 : memref<!tpu.dma_semaphore, #tpu.memory_space<semaphore_mem>>)
      %dma_wait3A = arith.constant 0 : i32
      %dma_wait3A_21 = arith.constant 0 : i32
      %dma_wait3A_22 = tpu.memref_slice %arg2[%dma_wait3A, %dma_wait3A_21] : memref<10000x128xf32, #tpu.memory_space<hbm>> -> memref<10000x128xf32, #tpu.memory_space<hbm>>
      tpu.wait_indirect_dma semaphore(%arg11 : memref<!tpu.dma_semaphore, #tpu.memory_space<semaphore_mem>>) src(%dma_wait3A_22 : memref<10000x128xf32, #tpu.memory_space<hbm>>) dst(%arg10 : memref<80x128xf32, #tpu.memory_space<vmem>>)
      "tpu.region"() ({
        %run_scoped3A = tpu.sem_alloc : memref<!tpu.dma_semaphore, #tpu.memory_space<semaphore_mem>>
        %dma_start3A_23 = arith.constant 0 : i32
        %dma_start3A_24 = arith.constant 0 : i32
        %dma_start3A_25 = tpu.memref_slice %arg7[%dma_start3A_23, %dma_start3A_24] : memref<10240x128xf32, #tpu.memory_space<vmem_shared>> -> memref<10240x128xf32, #tpu.memory_space<vmem_shared>>
        tpu.enqueue_indirect_dma source(%arg10 : memref<80x128xf32, #tpu.memory_space<vmem>>) target(%dma_start3A_25 : memref<10240x128xf32, #tpu.memory_space<vmem_shared>>) offsets(%arg9 : memref<80xi32, #tpu.memory_space<vmem>>) semaphore(%run_scoped3A : memref<!tpu.dma_semaphore, #tpu.memory_space<semaphore_mem>>) {add = true}
        %dma_wait3A_26 = arith.constant 0 : i32
        %dma_wait3A_27 = arith.constant 0 : i32
        %dma_wait3A_28 = tpu.memref_slice %arg7[%dma_wait3A_26, %dma_wait3A_27] : memref<10240x128xf32, #tpu.memory_space<vmem_shared>> -> memref<10240x128xf32, #tpu.memory_space<vmem_shared>>
        tpu.wait_indirect_dma semaphore(%run_scoped3A : memref<!tpu.dma_semaphore, #tpu.memory_space<semaphore_mem>>) src(%arg10 : memref<80x128xf32, #tpu.memory_space<vmem>>) dst(%dma_wait3A_28 : memref<10240x128xf32, #tpu.memory_space<vmem_shared>>)
        tpu.yield
      }) : () -> ()
    }
    %scan3A_9 = arith.constant 125 : i32
    %barrier3A_10 = arith.constant 0 : index
    tpu.barrier barrier_id(%barrier3A_10)
    %mul3A_11 = arith.constant 640 : i32
    %mul3A_12 = arith.muli %arg1, %mul3A_11 : i32
    %mul3A_13 = arith.constant 640 : i32
    %mul3A_14 = arith.muli %arg1, %mul3A_13 : i32
    "tpu.region"() ({
      %run_scoped3A = tpu.sem_alloc : memref<!tpu.dma_semaphore, #tpu.memory_space<semaphore_mem>>
      %dma_start3A = arith.constant 0 : i32
      %dma_start3A_15 = tpu.memref_slice %arg6[%arg0, %mul3A_14, %dma_start3A] : memref<2x10240x128xf32, #tpu.memory_space<hbm>> -> memref<1x640x128xf32, #tpu.memory_space<hbm>>
      %dma_start3A_16 = tpu.memref_squeeze %dma_start3A_15 : memref<1x640x128xf32, #tpu.memory_space<hbm>> -> memref<640x128xf32, #tpu.memory_space<hbm>>
      %dma_start3A_17 = arith.constant 0 : i32
      %dma_start3A_18 = tpu.memref_slice %arg7[%mul3A_12, %dma_start3A_17] : memref<10240x128xf32, #tpu.memory_space<vmem_shared>> -> memref<640x128xf32, #tpu.memory_space<vmem_shared>>
      tpu.enqueue_dma source(%dma_start3A_18 : memref<640x128xf32, #tpu.memory_space<vmem_shared>>) target(%dma_start3A_16 : memref<640x128xf32, #tpu.memory_space<hbm>>) target_semaphore(%run_scoped3A : memref<!tpu.dma_semaphore, #tpu.memory_space<semaphore_mem>>)
      %dma_wait3A = arith.constant 0 : i32
      %dma_wait3A_19 = tpu.memref_slice %arg6[%arg0, %mul3A_14, %dma_wait3A] : memref<2x10240x128xf32, #tpu.memory_space<hbm>> -> memref<1x640x128xf32, #tpu.memory_space<hbm>>
      %dma_wait3A_20 = tpu.memref_squeeze %dma_wait3A_19 : memref<1x640x128xf32, #tpu.memory_space<hbm>> -> memref<640x128xf32, #tpu.memory_space<hbm>>
      %dma_wait3A_21 = arith.constant 0 : i32
      %dma_wait3A_22 = tpu.memref_slice %arg7[%mul3A_12, %dma_wait3A_21] : memref<10240x128xf32, #tpu.memory_space<vmem_shared>> -> memref<640x128xf32, #tpu.memory_space<vmem_shared>>
      tpu.wait_dma2 semaphore(%run_scoped3A : memref<!tpu.dma_semaphore, #tpu.memory_space<semaphore_mem>>) src(%dma_wait3A_22 : memref<640x128xf32, #tpu.memory_space<vmem_shared>>) dst(%dma_wait3A_20 : memref<640x128xf32, #tpu.memory_space<hbm>>)
      tpu.yield
    }) : () -> ()
    return
  }
}

#map = affine_map<(d0, d1) -> (0, 0)>
#map1 = affine_map<(d0, d1) -> (0)>
#map2 = affine_map<(d0, d1) -> (0, 0, 0)>
module attributes {stable_mosaic.version = 14 : i64} {
  func.func @body(%arg0: i32, %arg1: i32, %arg2: memref<10000x128xf32, #tpu.memory_space<hbm>>, %arg3: memref<320000xi32, #tpu.memory_space<hbm>>, %arg4: memref<320000xi32, #tpu.memory_space<hbm>>, %arg5: memref<640x128xf32, #tpu.memory_space<hbm>>, %arg6: memref<2x10240x128xf32, #tpu.memory_space<hbm>>, %arg7: memref<10240x128xf32, #tpu.memory_space<vmem_shared>>, %arg8: memref<80xi32, #tpu.memory_space<vmem>>, %arg9: memref<80xi32, #tpu.memory_space<vmem>>, %arg10: memref<80x128xf32, #tpu.memory_space<vmem>>, %arg11: memref<!tpu.dma_semaphore, #tpu.memory_space<semaphore_mem>>) attributes {dimension_semantics = [#tpu.dimension_semantics<core_parallel>, #tpu.dimension_semantics<subcore_parallel>], iteration_bounds = array<i64: 2, 16>, scalar_prefetch = 0 : i64, scratch_operands = 5 : i64, tpu.core_type = #tpu.core_type<sc_vector_subcore>, window_params = [{transform_indices = #map}, {transform_indices = #map1}, {transform_indices = #map1}, {transform_indices = #map}, {transform_indices = #map2}]} {
    %mul3A = arith.constant 16 : i32
    %mul3A_0 = arith.muli %arg0, %mul3A : i32
    %add3A = arith.addi %mul3A_0, %arg1 : i32
    %mul3A_1 = arith.constant 640 : i32
    %mul3A_2 = arith.muli %arg1, %mul3A_1 : i32
    "tpu.region"() ({
      %run_scoped3A = tpu.sem_alloc : memref<!tpu.dma_semaphore, #tpu.memory_space<semaphore_mem>>
      %dma_start3A = arith.constant 0 : i32
      %dma_start3A_15 = tpu.memref_slice %arg7[%mul3A_2, %dma_start3A] : memref<10240x128xf32, #tpu.memory_space<vmem_shared>> -> memref<640x128xf32, #tpu.memory_space<vmem_shared>>
      tpu.enqueue_dma source(%arg5 : memref<640x128xf32, #tpu.memory_space<hbm>>) target(%dma_start3A_15 : memref<640x128xf32, #tpu.memory_space<vmem_shared>>) target_semaphore(%run_scoped3A : memref<!tpu.dma_semaphore, #tpu.memory_space<semaphore_mem>>)
      %dma_wait3A = arith.constant 0 : i32
      %dma_wait3A_16 = tpu.memref_slice %arg7[%mul3A_2, %dma_wait3A] : memref<10240x128xf32, #tpu.memory_space<vmem_shared>> -> memref<640x128xf32, #tpu.memory_space<vmem_shared>>
      tpu.wait_dma2 semaphore(%run_scoped3A : memref<!tpu.dma_semaphore, #tpu.memory_space<semaphore_mem>>) src(%arg5 : memref<640x128xf32, #tpu.memory_space<hbm>>) dst(%dma_wait3A_16 : memref<640x128xf32, #tpu.memory_space<vmem_shared>>)
      tpu.yield
    }) : () -> ()
    %barrier3A = arith.constant 0 : index
    tpu.barrier barrier_id(%barrier3A)
    %mul3A_3 = arith.constant 10000 : i32
    %mul3A_4 = arith.muli %add3A, %mul3A_3 : i32
    %scan3A = arith.constant 0 : i32
    %scan3A_5 = arith.constant 0 : i32
    %scan3A_6 = arith.constant 125 : i32
    %scan3A_7 = arith.addi %scan3A_5, %scan3A_6 : i32
    %scan3A_8 = arith.constant 1 : i32
    scf.for %scan3A_15 = %scan3A_5 to %scan3A_7 step %scan3A_8  : i32 {
      %mul3A_16 = arith.constant 80 : i32
      %mul3A_17 = arith.muli %scan3A_15, %mul3A_16 : i32
      %add3A_18 = arith.addi %mul3A_4, %mul3A_17 : i32
      "tpu.region"() ({
        %run_scoped3A = tpu.sem_alloc : memref<!tpu.dma_semaphore, #tpu.memory_space<semaphore_mem>>
        %dma_start3A_23 = tpu.memref_slice %arg3[%add3A_18] : memref<320000xi32, #tpu.memory_space<hbm>> -> memref<80xi32, #tpu.memory_space<hbm>>
        %dma_start3A_24 = tpu.memref_slice %arg3[%add3A_18] : memref<320000xi32, #tpu.memory_space<hbm>> -> memref<80xi32, #tpu.memory_space<hbm>>
        tpu.enqueue_dma source(%dma_start3A_24 : memref<80xi32, #tpu.memory_space<hbm>>) target(%arg8 : memref<80xi32, #tpu.memory_space<vmem>>) target_semaphore(%run_scoped3A : memref<!tpu.dma_semaphore, #tpu.memory_space<semaphore_mem>>)
        %dma_wait3A_25 = tpu.memref_slice %arg3[%add3A_18] : memref<320000xi32, #tpu.memory_space<hbm>> -> memref<80xi32, #tpu.memory_space<hbm>>
        %dma_wait3A_26 = tpu.memref_slice %arg3[%add3A_18] : memref<320000xi32, #tpu.memory_space<hbm>> -> memref<80xi32, #tpu.memory_space<hbm>>
        tpu.wait_dma2 semaphore(%run_scoped3A : memref<!tpu.dma_semaphore, #tpu.memory_space<semaphore_mem>>) src(%dma_wait3A_26 : memref<80xi32, #tpu.memory_space<hbm>>) dst(%arg8 : memref<80xi32, #tpu.memory_space<vmem>>)
        tpu.yield
      }) : () -> ()
      "tpu.region"() ({
        %run_scoped3A = tpu.sem_alloc : memref<!tpu.dma_semaphore, #tpu.memory_space<semaphore_mem>>
        %dma_start3A_23 = tpu.memref_slice %arg4[%add3A_18] : memref<320000xi32, #tpu.memory_space<hbm>> -> memref<80xi32, #tpu.memory_space<hbm>>
        %dma_start3A_24 = tpu.memref_slice %arg4[%add3A_18] : memref<320000xi32, #tpu.memory_space<hbm>> -> memref<80xi32, #tpu.memory_space<hbm>>
        tpu.enqueue_dma source(%dma_start3A_24 : memref<80xi32, #tpu.memory_space<hbm>>) target(%arg9 : memref<80xi32, #tpu.memory_space<vmem>>) target_semaphore(%run_scoped3A : memref<!tpu.dma_semaphore, #tpu.memory_space<semaphore_mem>>)
        %dma_wait3A_25 = tpu.memref_slice %arg4[%add3A_18] : memref<320000xi32, #tpu.memory_space<hbm>> -> memref<80xi32, #tpu.memory_space<hbm>>
        %dma_wait3A_26 = tpu.memref_slice %arg4[%add3A_18] : memref<320000xi32, #tpu.memory_space<hbm>> -> memref<80xi32, #tpu.memory_space<hbm>>
        tpu.wait_dma2 semaphore(%run_scoped3A : memref<!tpu.dma_semaphore, #tpu.memory_space<semaphore_mem>>) src(%dma_wait3A_26 : memref<80xi32, #tpu.memory_space<hbm>>) dst(%arg9 : memref<80xi32, #tpu.memory_space<vmem>>)
        tpu.yield
      }) : () -> ()
      %dma_start3A = arith.constant 0 : i32
      %dma_start3A_19 = arith.constant 0 : i32
      %dma_start3A_20 = tpu.memref_slice %arg2[%dma_start3A, %dma_start3A_19] : memref<10000x128xf32, #tpu.memory_space<hbm>> -> memref<10000x128xf32, #tpu.memory_space<hbm>>
      tpu.enqueue_indirect_dma source(%dma_start3A_20 : memref<10000x128xf32, #tpu.memory_space<hbm>>) target(%arg10 : memref<80x128xf32, #tpu.memory_space<vmem>>) offsets(%arg8 : memref<80xi32, #tpu.memory_space<vmem>>) semaphore(%arg11 : memref<!tpu.dma_semaphore, #tpu.memory_space<semaphore_mem>>)
      %dma_wait3A = arith.constant 0 : i32
      %dma_wait3A_21 = arith.constant 0 : i32
      %dma_wait3A_22 = tpu.memref_slice %arg2[%dma_wait3A, %dma_wait3A_21] : memref<10000x128xf32, #tpu.memory_space<hbm>> -> memref<10000x128xf32, #tpu.memory_space<hbm>>
      tpu.wait_indirect_dma semaphore(%arg11 : memref<!tpu.dma_semaphore, #tpu.memory_space<semaphore_mem>>) src(%dma_wait3A_22 : memref<10000x128xf32, #tpu.memory_space<hbm>>) dst(%arg10 : memref<80x128xf32, #tpu.memory_space<vmem>>)
      "tpu.region"() ({
        %run_scoped3A = tpu.sem_alloc : memref<!tpu.dma_semaphore, #tpu.memory_space<semaphore_mem>>
        %dma_start3A_23 = arith.constant 0 : i32
        %dma_start3A_24 = arith.constant 0 : i32
        %dma_start3A_25 = tpu.memref_slice %arg7[%dma_start3A_23, %dma_start3A_24] : memref<10240x128xf32, #tpu.memory_space<vmem_shared>> -> memref<10240x128xf32, #tpu.memory_space<vmem_shared>>
        tpu.enqueue_indirect_dma source(%arg10 : memref<80x128xf32, #tpu.memory_space<vmem>>) target(%dma_start3A_25 : memref<10240x128xf32, #tpu.memory_space<vmem_shared>>) offsets(%arg9 : memref<80xi32, #tpu.memory_space<vmem>>) semaphore(%run_scoped3A : memref<!tpu.dma_semaphore, #tpu.memory_space<semaphore_mem>>) {add = true}
        %dma_wait3A_26 = arith.constant 0 : i32
        %dma_wait3A_27 = arith.constant 0 : i32
        %dma_wait3A_28 = tpu.memref_slice %arg7[%dma_wait3A_26, %dma_wait3A_27] : memref<10240x128xf32, #tpu.memory_space<vmem_shared>> -> memref<10240x128xf32, #tpu.memory_space<vmem_shared>>
        tpu.wait_indirect_dma semaphore(%run_scoped3A : memref<!tpu.dma_semaphore, #tpu.memory_space<semaphore_mem>>) src(%arg10 : memref<80x128xf32, #tpu.memory_space<vmem>>) dst(%dma_wait3A_28 : memref<10240x128xf32, #tpu.memory_space<vmem_shared>>)
        tpu.yield
      }) : () -> ()
    }
    %scan3A_9 = arith.constant 125 : i32
    %barrier3A_10 = arith.constant 0 : index
    tpu.barrier barrier_id(%barrier3A_10)
    %mul3A_11 = arith.constant 640 : i32
    %mul3A_12 = arith.muli %arg1, %mul3A_11 : i32
    %mul3A_13 = arith.constant 640 : i32
    %mul3A_14 = arith.muli %arg1, %mul3A_13 : i32
    "tpu.region"() ({
      %run_scoped3A = tpu.sem_alloc : memref<!tpu.dma_semaphore, #tpu.memory_space<semaphore_mem>>
      %dma_start3A = arith.constant 0 : i32
      %dma_start3A_15 = tpu.memref_slice %arg6[%arg0, %mul3A_14, %dma_start3A] : memref<2x10240x128xf32, #tpu.memory_space<hbm>> -> memref<1x640x128xf32, #tpu.memory_space<hbm>>
      %dma_start3A_16 = tpu.memref_squeeze %dma_start3A_15 : memref<1x640x128xf32, #tpu.memory_space<hbm>> -> memref<640x128xf32, #tpu.memory_space<hbm>>
      %dma_start3A_17 = arith.constant 0 : i32
      %dma_start3A_18 = tpu.memref_slice %arg7[%mul3A_12, %dma_start3A_17] : memref<10240x128xf32, #tpu.memory_space<vmem_shared>> -> memref<640x128xf32, #tpu.memory_space<vmem_shared>>
      tpu.enqueue_dma source(%dma_start3A_18 : memref<640x128xf32, #tpu.memory_space<vmem_shared>>) target(%dma_start3A_16 : memref<640x128xf32, #tpu.memory_space<hbm>>) target_semaphore(%run_scoped3A : memref<!tpu.dma_semaphore, #tpu.memory_space<semaphore_mem>>)
      %dma_wait3A = arith.constant 0 : i32
      %dma_wait3A_19 = tpu.memref_slice %arg6[%arg0, %mul3A_14, %dma_wait3A] : memref<2x10240x128xf32, #tpu.memory_space<hbm>> -> memref<1x640x128xf32, #tpu.memory_space<hbm>>
      %dma_wait3A_20 = tpu.memref_squeeze %dma_wait3A_19 : memref<1x640x128xf32, #tpu.memory_space<hbm>> -> memref<640x128xf32, #tpu.memory_space<hbm>>
      %dma_wait3A_21 = arith.constant 0 : i32
      %dma_wait3A_22 = tpu.memref_slice %arg7[%mul3A_12, %dma_wait3A_21] : memref<10240x128xf32, #tpu.memory_space<vmem_shared>> -> memref<640x128xf32, #tpu.memory_space<vmem_shared>>
      tpu.wait_dma2 semaphore(%run_scoped3A : memref<!tpu.dma_semaphore, #tpu.memory_space<semaphore_mem>>) src(%dma_wait3A_22 : memref<640x128xf32, #tpu.memory_space<vmem_shared>>) dst(%dma_wait3A_20 : memref<640x128xf32, #tpu.memory_space<hbm>>)
      tpu.yield
    }) : () -> ()
    return
  }
}

module attributes {stable_mosaic.version = 14 : i64} {
  func.func @body(%arg0: memref<10000x128xf32, #tpu.memory_space<vmem>>, %arg1: memref<128x128xf32, #tpu.memory_space<vmem>>, %arg2: memref<1x128xf32, #tpu.memory_space<vmem>>, %arg3: memref<10000x128xf32, #tpu.memory_space<vmem>>) attributes {dimension_semantics = [], scalar_prefetch = 0 : i64, scratch_operands = 0 : i64, tpu.core_type = #tpu.core_type<tc>} {
    %get3A = arith.constant 0 : index
    %get3A_0 = arith.constant 0 : index
    %get3A_1 = vector.load %arg0[%get3A, %get3A_0] : memref<10000x128xf32, #tpu.memory_space<vmem>>, vector<10000x128xf32>
    %get3A_2 = arith.constant 0 : index
    %get3A_3 = arith.constant 0 : index
    %get3A_4 = vector.load %arg1[%get3A_2, %get3A_3] : memref<128x128xf32, #tpu.memory_space<vmem>>, vector<128x128xf32>
    %dot_general3A = arith.constant dense<0.000000e+00> : vector<10000x128xf32>
    %dot_general3A_5 = tpu.matmul %get3A_1, %get3A_4, %dot_general3A {dimension_numbers = #tpu.dot_dimension_numbers<[1], [0], [0], [1], [0, 0, 1, 1], [], []>, transpose_lhs_hint = false} : vector<10000x128xf32>, vector<128x128xf32>, vector<10000x128xf32> -> vector<10000x128xf32>
    %get3A_6 = arith.constant 0 : index
    %get3A_7 = arith.constant 0 : index
    %get3A_8 = vector.load %arg2[%get3A_6, %get3A_7] : memref<1x128xf32, #tpu.memory_space<vmem>>, vector<1x128xf32>
    %add3A = vector.broadcast %get3A_8 : vector<1x128xf32> to vector<10000x128xf32>
    %add3A_9 = arith.addf %dot_general3A_5, %add3A : vector<10000x128xf32>
    %max3A = arith.constant 0.000000e+00 : f32
    %max3A_10 = vector.broadcast %max3A : f32 to vector<10000x128xf32>
    %max3A_11 = arith.maximumf %add3A_9, %max3A_10 : vector<10000x128xf32>
    %swap3A = arith.constant 0 : index
    %swap3A_12 = arith.constant 0 : index
    %swap3A_13 = vector.load %arg3[%swap3A, %swap3A_12] : memref<10000x128xf32, #tpu.memory_space<vmem>>, vector<10000x128xf32>
    tpu.vector_store %arg3[%swap3A, %swap3A_12], %max3A_11 {strides = array<i32>} : memref<10000x128xf32, #tpu.memory_space<vmem>>, vector<10000x128xf32>,
    return
  }
}

module attributes {stable_mosaic.version = 14 : i64} {
  func.func @body(%arg0: memref<10000x128xf32, #tpu.memory_space<vmem>>, %arg1: memref<2x10240x128xf32, #tpu.memory_space<vmem>>, %arg2: memref<10000x1xf32, #tpu.memory_space<vmem>>, %arg3: memref<10000x128xf32, #tpu.memory_space<vmem>>) attributes {dimension_semantics = [], scalar_prefetch = 0 : i64, scratch_operands = 0 : i64, tpu.core_type = #tpu.core_type<tc>} {
    %get3A = arith.constant 0 : index
    %get3A_0 = arith.constant 0 : index
    %get3A_1 = vector.load %arg0[%get3A, %get3A_0] : memref<10000x128xf32, #tpu.memory_space<vmem>>, vector<10000x128xf32>
    %mul3A = arith.constant 5.000000e-01 : f32
    %mul3A_2 = vector.broadcast %mul3A : f32 to vector<10000x128xf32>
    %mul3A_3 = arith.mulf %mul3A_2, %get3A_1 : vector<10000x128xf32>
    %get3A_4 = arith.constant 0 : index
    %get3A_5 = arith.constant 0 : index
    %get3A_6 = vector.load %arg2[%get3A_4, %get3A_5] : memref<10000x1xf32, #tpu.memory_space<vmem>>, vector<10000x1xf32>
    %mul3A_7 = arith.constant 5.000000e-01 : f32
    %mul3A_8 = vector.broadcast %mul3A_7 : f32 to vector<10000x1xf32>
    %mul3A_9 = arith.mulf %mul3A_8, %get3A_6 : vector<10000x1xf32>
    %get3A_10 = arith.constant 0 : index
    %get3A_11 = arith.constant 0 : index
    %get3A_12 = arith.constant 0 : index
    %get3A_13 = vector.load %arg1[%get3A_10, %get3A_11, %get3A_12] : memref<2x10240x128xf32, #tpu.memory_space<vmem>>, vector<1x10000x128xf32>
    %get3A_14 = vector.shape_cast %get3A_13 : vector<1x10000x128xf32> to vector<10000x128xf32>
    %get3A_15 = arith.constant 1 : index
    %get3A_16 = arith.constant 0 : index
    %get3A_17 = arith.constant 0 : index
    %get3A_18 = vector.load %arg1[%get3A_15, %get3A_16, %get3A_17] : memref<2x10240x128xf32, #tpu.memory_space<vmem>>, vector<1x10000x128xf32>
    %get3A_19 = vector.shape_cast %get3A_18 : vector<1x10000x128xf32> to vector<10000x128xf32>
    %add3A = arith.addf %get3A_14, %get3A_19 : vector<10000x128xf32>
    %mul3A_20 = vector.broadcast %mul3A_9 : vector<10000x1xf32> to vector<10000x128xf32>
    %mul3A_21 = arith.mulf %mul3A_20, %add3A : vector<10000x128xf32>
    %add3A_22 = arith.addf %mul3A_3, %mul3A_21 : vector<10000x128xf32>
    %swap3A = arith.constant 0 : index
    %swap3A_23 = arith.constant 0 : index
    %swap3A_24 = vector.load %arg3[%swap3A, %swap3A_23] : memref<10000x128xf32, #tpu.memory_space<vmem>>, vector<10000x128xf32>
    tpu.vector_store %arg3[%swap3A, %swap3A_23], %add3A_22 {strides = array<i32>} : memref<10000x128xf32, #tpu.memory_space<vmem>>, vector<10000x128xf32>,
    return
  }
}

module attributes {stable_mosaic.version = 14 : i64} {
  func.func @body(%arg0: memref<10000x128xf32, #tpu.memory_space<vmem>>, %arg1: memref<2x10240x128xf32, #tpu.memory_space<vmem>>, %arg2: memref<2x10240x128xf32, #tpu.memory_space<vmem>>, %arg3: memref<10000x128xf32, #tpu.memory_space<vmem>>, %arg4: memref<10000x1xf32, #tpu.memory_space<vmem>>) attributes {dimension_semantics = [], scalar_prefetch = 0 : i64, scratch_operands = 0 : i64, tpu.core_type = #tpu.core_type<tc>} {
    %get3A = arith.constant 0 : index
    %get3A_0 = arith.constant 0 : index
    %get3A_1 = arith.constant 0 : index
    %get3A_2 = vector.load %arg2[%get3A, %get3A_0, %get3A_1] : memref<2x10240x128xf32, #tpu.memory_space<vmem>>, vector<1x10000x1xf32>
    %get3A_3 = vector.shape_cast %get3A_2 : vector<1x10000x1xf32> to vector<10000x1xf32>
    %get3A_4 = arith.constant 1 : index
    %get3A_5 = arith.constant 0 : index
    %get3A_6 = arith.constant 0 : index
    %get3A_7 = vector.load %arg2[%get3A_4, %get3A_5, %get3A_6] : memref<2x10240x128xf32, #tpu.memory_space<vmem>>, vector<1x10000x1xf32>
    %get3A_8 = vector.shape_cast %get3A_7 : vector<1x10000x1xf32> to vector<10000x1xf32>
    %add3A = arith.addf %get3A_3, %get3A_8 : vector<10000x1xf32>
    %max3A = arith.constant 1.000000e+00 : f32
    %max3A_9 = vector.broadcast %max3A : f32 to vector<10000x1xf32>
    %max3A_10 = arith.maximumf %add3A, %max3A_9 : vector<10000x1xf32>
    %div3A = arith.constant 1.000000e+00 : f32
    %div3A_11 = vector.broadcast %div3A : f32 to vector<10000x1xf32>
    %div3A_12 = arith.divf %div3A_11, %max3A_10 : vector<10000x1xf32>
    %swap3A = arith.constant 0 : index
    %swap3A_13 = arith.constant 0 : index
    %swap3A_14 = vector.load %arg4[%swap3A, %swap3A_13] : memref<10000x1xf32, #tpu.memory_space<vmem>>, vector<10000x1xf32>
    tpu.vector_store %arg4[%swap3A, %swap3A_13], %div3A_12 {strides = array<i32>} : memref<10000x1xf32, #tpu.memory_space<vmem>>, vector<10000x1xf32>,
    %get3A_15 = arith.constant 0 : index
    %get3A_16 = arith.constant 0 : index
    %get3A_17 = vector.load %arg0[%get3A_15, %get3A_16] : memref<10000x128xf32, #tpu.memory_space<vmem>>, vector<10000x128xf32>
    %mul3A = arith.constant 5.000000e-01 : f32
    %mul3A_18 = vector.broadcast %mul3A : f32 to vector<10000x128xf32>
    %mul3A_19 = arith.mulf %mul3A_18, %get3A_17 : vector<10000x128xf32>
    %mul3A_20 = arith.constant 5.000000e-01 : f32
    %mul3A_21 = vector.broadcast %mul3A_20 : f32 to vector<10000x1xf32>
    %mul3A_22 = arith.mulf %mul3A_21, %div3A_12 : vector<10000x1xf32>
    %get3A_23 = arith.constant 0 : index
    %get3A_24 = arith.constant 0 : index
    %get3A_25 = arith.constant 0 : index
    %get3A_26 = vector.load %arg1[%get3A_23, %get3A_24, %get3A_25] : memref<2x10240x128xf32, #tpu.memory_space<vmem>>, vector<1x10000x128xf32>
    %get3A_27 = vector.shape_cast %get3A_26 : vector<1x10000x128xf32> to vector<10000x128xf32>
    %get3A_28 = arith.constant 1 : index
    %get3A_29 = arith.constant 0 : index
    %get3A_30 = arith.constant 0 : index
    %get3A_31 = vector.load %arg1[%get3A_28, %get3A_29, %get3A_30] : memref<2x10240x128xf32, #tpu.memory_space<vmem>>, vector<1x10000x128xf32>
    %get3A_32 = vector.shape_cast %get3A_31 : vector<1x10000x128xf32> to vector<10000x128xf32>
    %add3A_33 = arith.addf %get3A_27, %get3A_32 : vector<10000x128xf32>
    %mul3A_34 = vector.broadcast %mul3A_22 : vector<10000x1xf32> to vector<10000x128xf32>
    %mul3A_35 = arith.mulf %mul3A_34, %add3A_33 : vector<10000x128xf32>
    %add3A_36 = arith.addf %mul3A_19, %mul3A_35 : vector<10000x128xf32>
    %swap3A_37 = arith.constant 0 : index
    %swap3A_38 = arith.constant 0 : index
    %swap3A_39 = vector.load %arg3[%swap3A_37, %swap3A_38] : memref<10000x128xf32, #tpu.memory_space<vmem>>, vector<10000x128xf32>
    tpu.vector_store %arg3[%swap3A_37, %swap3A_38], %add3A_36 {strides = array<i32>} : memref<10000x128xf32, #tpu.memory_space<vmem>>, vector<10000x128xf32>,
    return
  }
}

module attributes {stable_mosaic.version = 14 : i64} {
  func.func @body(%arg0: memref<10000x128xf32, #tpu.memory_space<vmem>>, %arg1: memref<2x10240x128xf32, #tpu.memory_space<vmem>>, %arg2: memref<10000x1xf32, #tpu.memory_space<vmem>>, %arg3: memref<10000x1xi32, #tpu.memory_space<vmem>>, %arg4: memref<256x512xf32, #tpu.memory_space<vmem>>, %arg5: memref<128x512xf32, #tpu.memory_space<vmem>>, %arg6: memref<1x512xf32, #tpu.memory_space<vmem>>, %arg7: memref<256x1xf32, #tpu.memory_space<vmem>>, %arg8: memref<1x1xf32, #tpu.memory_space<vmem>>, %arg9: memref<64x1xf32, #tpu.memory_space<vmem>>) attributes {dimension_semantics = [], scalar_prefetch = 0 : i64, scratch_operands = 0 : i64, tpu.core_type = #tpu.core_type<tc>} {
    %get3A = arith.constant 0 : index
    %get3A_0 = arith.constant 0 : index
    %get3A_1 = vector.load %arg0[%get3A, %get3A_0] : memref<10000x128xf32, #tpu.memory_space<vmem>>, vector<10000x128xf32>
    %mul3A = arith.constant 5.000000e-01 : f32
    %mul3A_2 = vector.broadcast %mul3A : f32 to vector<10000x128xf32>
    %mul3A_3 = arith.mulf %mul3A_2, %get3A_1 : vector<10000x128xf32>
    %get3A_4 = arith.constant 0 : index
    %get3A_5 = arith.constant 0 : index
    %get3A_6 = vector.load %arg2[%get3A_4, %get3A_5] : memref<10000x1xf32, #tpu.memory_space<vmem>>, vector<10000x1xf32>
    %mul3A_7 = arith.constant 5.000000e-01 : f32
    %mul3A_8 = vector.broadcast %mul3A_7 : f32 to vector<10000x1xf32>
    %mul3A_9 = arith.mulf %mul3A_8, %get3A_6 : vector<10000x1xf32>
    %get3A_10 = arith.constant 0 : index
    %get3A_11 = arith.constant 0 : index
    %get3A_12 = arith.constant 0 : index
    %get3A_13 = vector.load %arg1[%get3A_10, %get3A_11, %get3A_12] : memref<2x10240x128xf32, #tpu.memory_space<vmem>>, vector<1x10000x128xf32>
    %get3A_14 = vector.shape_cast %get3A_13 : vector<1x10000x128xf32> to vector<10000x128xf32>
    %get3A_15 = arith.constant 1 : index
    %get3A_16 = arith.constant 0 : index
    %get3A_17 = arith.constant 0 : index
    %get3A_18 = vector.load %arg1[%get3A_15, %get3A_16, %get3A_17] : memref<2x10240x128xf32, #tpu.memory_space<vmem>>, vector<1x10000x128xf32>
    %get3A_19 = vector.shape_cast %get3A_18 : vector<1x10000x128xf32> to vector<10000x128xf32>
    %add3A = arith.addf %get3A_14, %get3A_19 : vector<10000x128xf32>
    %mul3A_20 = vector.broadcast %mul3A_9 : vector<10000x1xf32> to vector<10000x128xf32>
    %mul3A_21 = arith.mulf %mul3A_20, %add3A : vector<10000x128xf32>
    %add3A_22 = arith.addf %mul3A_3, %mul3A_21 : vector<10000x128xf32>
    %get3A_23 = arith.constant 0 : index
    %get3A_24 = arith.constant 0 : index
    %get3A_25 = vector.load %arg3[%get3A_23, %get3A_24] : memref<10000x1xi32, #tpu.memory_space<vmem>>, vector<10000x1xi32>
    %iota3A = tpu.iota {dimensions = array<i32: 1>} : vector<10000x64xi32>
    %eq3A = vector.broadcast %get3A_25 : vector<10000x1xi32> to vector<10000x64xi32>
    %eq3A_26 = arith.cmpi eq, %eq3A, %iota3A : vector<10000x64xi32>
    %convert_element_type3A = arith.extui %eq3A_26 : vector<10000x64xi1> to vector<10000x64xi32>
    %convert_element_type3A_27 = arith.sitofp %convert_element_type3A : vector<10000x64xi32> to vector<10000x64xf32>
    %broadcast_in_dim3A = arith.constant 0.000000e+00 : f32
    %broadcast_in_dim3A_28 = vector.broadcast %broadcast_in_dim3A : f32 to vector<64x256xf32>
    %broadcast_in_dim3A_29 = arith.constant 0.000000e+00 : f32
    %broadcast_in_dim3A_30 = vector.broadcast %broadcast_in_dim3A_29 : f32 to vector<64x128xf32>
    %broadcast_in_dim3A_31 = arith.constant 0.000000e+00 : f32
    %broadcast_in_dim3A_32 = vector.broadcast %broadcast_in_dim3A_31 : f32 to vector<64x128xf32>
    %get3A_33 = arith.constant 0 : index
    %get3A_34 = arith.constant 0 : index
    %get3A_35 = vector.load %arg4[%get3A_33, %get3A_34] : memref<256x512xf32, #tpu.memory_space<vmem>>, vector<256x512xf32>
    %dot_general3A = arith.constant dense<0.000000e+00> : vector<64x512xf32>
    %dot_general3A_36 = tpu.matmul %broadcast_in_dim3A_28, %get3A_35, %dot_general3A {dimension_numbers = #tpu.dot_dimension_numbers<[1], [0], [0], [1], [0, 0, 1, 1], [], []>, transpose_lhs_hint = false} : vector<64x256xf32>, vector<256x512xf32>, vector<64x512xf32> -> vector<64x512xf32>
    %get3A_37 = arith.constant 0 : index
    %get3A_38 = arith.constant 0 : index
    %get3A_39 = vector.load %arg5[%get3A_37, %get3A_38] : memref<128x512xf32, #tpu.memory_space<vmem>>, vector<128x512xf32>
    %dot_general3A_40 = arith.constant dense<0.000000e+00> : vector<64x512xf32>
    %dot_general3A_41 = tpu.matmul %broadcast_in_dim3A_30, %get3A_39, %dot_general3A_40 {dimension_numbers = #tpu.dot_dimension_numbers<[1], [0], [0], [1], [0, 0, 1, 1], [], []>, transpose_lhs_hint = false} : vector<64x128xf32>, vector<128x512xf32>, vector<64x512xf32> -> vector<64x512xf32>
    %add3A_42 = arith.addf %dot_general3A_36, %dot_general3A_41 : vector<64x512xf32>
    %get3A_43 = arith.constant 0 : index
    %get3A_44 = arith.constant 0 : index
    %get3A_45 = vector.load %arg6[%get3A_43, %get3A_44] : memref<1x512xf32, #tpu.memory_space<vmem>>, vector<1x512xf32>
    %add3A_46 = vector.broadcast %get3A_45 : vector<1x512xf32> to vector<64x512xf32>
    %add3A_47 = arith.addf %add3A_42, %add3A_46 : vector<64x512xf32>
    %slice3A = vector.extract_strided_slice %add3A_47 {offsets = [0, 0], sizes = [64, 128], strides = [1, 1]} : vector<64x512xf32> to vector<64x128xf32>
    %logistic3A = arith.negf %slice3A : vector<64x128xf32>
    %logistic3A_48 = math.exp %logistic3A : vector<64x128xf32>
    %logistic3A_49 = arith.constant 1.000000e+00 : f32
    %logistic3A_50 = vector.broadcast %logistic3A_49 : f32 to vector<64x128xf32>
    %logistic3A_51 = arith.addf %logistic3A_50, %logistic3A_48 : vector<64x128xf32>
    %logistic3A_52 = arith.divf %logistic3A_50, %logistic3A_51 : vector<64x128xf32>
    %slice3A_53 = vector.extract_strided_slice %add3A_47 {offsets = [0, 128], sizes = [64, 128], strides = [1, 1]} : vector<64x512xf32> to vector<64x128xf32>
    %logistic3A_54 = arith.negf %slice3A_53 : vector<64x128xf32>
    %logistic3A_55 = math.exp %logistic3A_54 : vector<64x128xf32>
    %logistic3A_56 = arith.constant 1.000000e+00 : f32
    %logistic3A_57 = vector.broadcast %logistic3A_56 : f32 to vector<64x128xf32>
    %logistic3A_58 = arith.addf %logistic3A_57, %logistic3A_55 : vector<64x128xf32>
    %logistic3A_59 = arith.divf %logistic3A_57, %logistic3A_58 : vector<64x128xf32>
    %slice3A_60 = vector.extract_strided_slice %add3A_47 {offsets = [0, 256], sizes = [64, 128], strides = [1, 1]} : vector<64x512xf32> to vector<64x128xf32>
    %tanh3A = math.tanh %slice3A_60 : vector<64x128xf32>
    %slice3A_61 = vector.extract_strided_slice %add3A_47 {offsets = [0, 384], sizes = [64, 128], strides = [1, 1]} : vector<64x512xf32> to vector<64x128xf32>
    %logistic3A_62 = arith.negf %slice3A_61 : vector<64x128xf32>
    %logistic3A_63 = math.exp %logistic3A_62 : vector<64x128xf32>
    %logistic3A_64 = arith.constant 1.000000e+00 : f32
    %logistic3A_65 = vector.broadcast %logistic3A_64 : f32 to vector<64x128xf32>
    %logistic3A_66 = arith.addf %logistic3A_65, %logistic3A_63 : vector<64x128xf32>
    %logistic3A_67 = arith.divf %logistic3A_65, %logistic3A_66 : vector<64x128xf32>
    %mul3A_68 = arith.mulf %logistic3A_59, %broadcast_in_dim3A_32 : vector<64x128xf32>
    %mul3A_69 = arith.mulf %logistic3A_52, %tanh3A : vector<64x128xf32>
    %add3A_70 = arith.addf %mul3A_68, %mul3A_69 : vector<64x128xf32>
    %tanh3A_71 = math.tanh %add3A_70 : vector<64x128xf32>
    %mul3A_72 = arith.mulf %logistic3A_67, %tanh3A_71 : vector<64x128xf32>
    %dot_general3A_73 = arith.constant dense<0.000000e+00> : vector<10000x64xf32>
    %dot_general3A_74 = tpu.matmul %add3A_22, %mul3A_72, %dot_general3A_73 {dimension_numbers = #tpu.dot_dimension_numbers<[1], [1], [0], [0], [0, 0, 1, 0], [], []>, transpose_lhs_hint = false} : vector<10000x128xf32>, vector<64x128xf32>, vector<10000x64xf32> -> vector<10000x64xf32>
    %gt3A = arith.constant 0.000000e+00 : f32
    %gt3A_75 = vector.broadcast %gt3A : f32 to vector<10000x64xf32>
    %gt3A_76 = arith.cmpf ogt, %convert_element_type3A_27, %gt3A_75 : vector<10000x64xf32>
    %jit3A = arith.constant -1.000000e+30 : f32
    %broadcast_in_dim3A_77 = vector.broadcast %jit3A : f32 to vector<10000x64xf32>
    %select_n3A = arith.select %gt3A_76, %dot_general3A_74, %broadcast_in_dim3A_77 : vector<10000x64xi1>, vector<10000x64xf32>
    %reduce_max3A = arith.constant dense<0xFF800000> : vector<64xf32>
    %reduce_max3A_78 = vector.multi_reduction <maximumf>, %select_n3A, %reduce_max3A [0] : vector<10000x64xf32> to vector<64xf32>
    %broadcast_in_dim3A_79 = vector.shape_cast %reduce_max3A_78 : vector<64xf32> to vector<1x64xf32>
    %gt3A_80 = arith.constant 0.000000e+00 : f32
    %gt3A_81 = vector.broadcast %gt3A_80 : f32 to vector<10000x64xf32>
    %gt3A_82 = arith.cmpf ogt, %convert_element_type3A_27, %gt3A_81 : vector<10000x64xf32>
    %jit3A_83 = arith.constant -1.000000e+30 : f32
    %broadcast_in_dim3A_84 = vector.shape_cast %broadcast_in_dim3A_79 : vector<1x64xf32> to vector<1x64xf32>
    %broadcast_in_dim3A_85 = vector.broadcast %broadcast_in_dim3A_84 : vector<1x64xf32> to vector<10000x64xf32>
    %broadcast_in_dim3A_86 = vector.broadcast %jit3A_83 : f32 to vector<10000x64xf32>
    %select_n3A_87 = arith.select %gt3A_82, %broadcast_in_dim3A_85, %broadcast_in_dim3A_86 : vector<10000x64xi1>, vector<10000x64xf32>
    %reduce_max3A_88 = arith.constant dense<0xFF800000> : vector<10000xf32>
    %reduce_max3A_89 = vector.multi_reduction <maximumf>, %select_n3A_87, %reduce_max3A_88 [1] : vector<10000x64xf32> to vector<10000xf32>
    %broadcast_in_dim3A_90 = vector.shape_cast %reduce_max3A_89 : vector<10000xf32> to vector<10000x1xf32>
    %mul3A_91 = arith.mulf %convert_element_type3A_27, %dot_general3A_74 : vector<10000x64xf32>
    %reduce_sum3A = arith.constant dense<0.000000e+00> : vector<10000xf32>
    %reduce_sum3A_92 = vector.multi_reduction <add>, %mul3A_91, %reduce_sum3A [1] : vector<10000x64xf32> to vector<10000xf32>
    %broadcast_in_dim3A_93 = vector.shape_cast %reduce_sum3A_92 : vector<10000xf32> to vector<10000x1xf32>
    %sub3A = arith.subf %broadcast_in_dim3A_93, %broadcast_in_dim3A_90 : vector<10000x1xf32>
    %exp3A = math.exp %sub3A : vector<10000x1xf32>
    %mul3A_94 = vector.broadcast %exp3A : vector<10000x1xf32> to vector<10000x128xf32>
    %mul3A_95 = arith.mulf %mul3A_94, %add3A_22 : vector<10000x128xf32>
    %dot_general3A_96 = arith.constant dense<0.000000e+00> : vector<64x128xf32>
    %dot_general3A_97 = tpu.matmul %convert_element_type3A_27, %mul3A_95, %dot_general3A_96 {dimension_numbers = #tpu.dot_dimension_numbers<[0], [0], [1], [1], [0, 1, 1, 1], [], []>, transpose_lhs_hint = false} : vector<10000x64xf32>, vector<10000x128xf32>, vector<64x128xf32> -> vector<64x128xf32>
    %dot_general3A_98 = arith.constant dense<0.000000e+00> : vector<64x1xf32>
    %dot_general3A_99 = tpu.matmul %convert_element_type3A_27, %exp3A, %dot_general3A_98 {dimension_numbers = #tpu.dot_dimension_numbers<[0], [0], [1], [1], [0, 1, 1, 1], [], []>, transpose_lhs_hint = false} : vector<10000x64xf32>, vector<10000x1xf32>, vector<64x1xf32> -> vector<64x1xf32>
    %max3A = arith.constant 1.000000e-30 : f32
    %max3A_100 = vector.broadcast %max3A : f32 to vector<64x1xf32>
    %max3A_101 = arith.maximumf %dot_general3A_99, %max3A_100 : vector<64x1xf32>
    %div3A = vector.broadcast %max3A_101 : vector<64x1xf32> to vector<64x128xf32>
    %div3A_102 = arith.divf %dot_general3A_97, %div3A : vector<64x128xf32>
    %concatenate3A = tpu.concatenate %mul3A_72, %div3A_102 in 1 : vector<64x128xf32>, vector<64x128xf32> -> vector<64x256xf32>
    %get3A_103 = arith.constant 0 : index
    %get3A_104 = arith.constant 0 : index
    %get3A_105 = vector.load %arg4[%get3A_103, %get3A_104] : memref<256x512xf32, #tpu.memory_space<vmem>>, vector<256x512xf32>
    %dot_general3A_106 = arith.constant dense<0.000000e+00> : vector<64x512xf32>
    %dot_general3A_107 = tpu.matmul %concatenate3A, %get3A_105, %dot_general3A_106 {dimension_numbers = #tpu.dot_dimension_numbers<[1], [0], [0], [1], [0, 0, 1, 1], [], []>, transpose_lhs_hint = false} : vector<64x256xf32>, vector<256x512xf32>, vector<64x512xf32> -> vector<64x512xf32>
    %get3A_108 = arith.constant 0 : index
    %get3A_109 = arith.constant 0 : index
    %get3A_110 = vector.load %arg5[%get3A_108, %get3A_109] : memref<128x512xf32, #tpu.memory_space<vmem>>, vector<128x512xf32>
    %dot_general3A_111 = arith.constant dense<0.000000e+00> : vector<64x512xf32>
    %dot_general3A_112 = tpu.matmul %mul3A_72, %get3A_110, %dot_general3A_111 {dimension_numbers = #tpu.dot_dimension_numbers<[1], [0], [0], [1], [0, 0, 1, 1], [], []>, transpose_lhs_hint = false} : vector<64x128xf32>, vector<128x512xf32>, vector<64x512xf32> -> vector<64x512xf32>
    %add3A_113 = arith.addf %dot_general3A_107, %dot_general3A_112 : vector<64x512xf32>
    %get3A_114 = arith.constant 0 : index
    %get3A_115 = arith.constant 0 : index
    %get3A_116 = vector.load %arg6[%get3A_114, %get3A_115] : memref<1x512xf32, #tpu.memory_space<vmem>>, vector<1x512xf32>
    %add3A_117 = vector.broadcast %get3A_116 : vector<1x512xf32> to vector<64x512xf32>
    %add3A_118 = arith.addf %add3A_113, %add3A_117 : vector<64x512xf32>
    %slice3A_119 = vector.extract_strided_slice %add3A_118 {offsets = [0, 0], sizes = [64, 128], strides = [1, 1]} : vector<64x512xf32> to vector<64x128xf32>
    %logistic3A_120 = arith.negf %slice3A_119 : vector<64x128xf32>
    %logistic3A_121 = math.exp %logistic3A_120 : vector<64x128xf32>
    %logistic3A_122 = arith.constant 1.000000e+00 : f32
    %logistic3A_123 = vector.broadcast %logistic3A_122 : f32 to vector<64x128xf32>
    %logistic3A_124 = arith.addf %logistic3A_123, %logistic3A_121 : vector<64x128xf32>
    %logistic3A_125 = arith.divf %logistic3A_123, %logistic3A_124 : vector<64x128xf32>
    %slice3A_126 = vector.extract_strided_slice %add3A_118 {offsets = [0, 128], sizes = [64, 128], strides = [1, 1]} : vector<64x512xf32> to vector<64x128xf32>
    %logistic3A_127 = arith.negf %slice3A_126 : vector<64x128xf32>
    %logistic3A_128 = math.exp %logistic3A_127 : vector<64x128xf32>
    %logistic3A_129 = arith.constant 1.000000e+00 : f32
    %logistic3A_130 = vector.broadcast %logistic3A_129 : f32 to vector<64x128xf32>
    %logistic3A_131 = arith.addf %logistic3A_130, %logistic3A_128 : vector<64x128xf32>
    %logistic3A_132 = arith.divf %logistic3A_130, %logistic3A_131 : vector<64x128xf32>
    %slice3A_133 = vector.extract_strided_slice %add3A_118 {offsets = [0, 256], sizes = [64, 128], strides = [1, 1]} : vector<64x512xf32> to vector<64x128xf32>
    %tanh3A_134 = math.tanh %slice3A_133 : vector<64x128xf32>
    %slice3A_135 = vector.extract_strided_slice %add3A_118 {offsets = [0, 384], sizes = [64, 128], strides = [1, 1]} : vector<64x512xf32> to vector<64x128xf32>
    %logistic3A_136 = arith.negf %slice3A_135 : vector<64x128xf32>
    %logistic3A_137 = math.exp %logistic3A_136 : vector<64x128xf32>
    %logistic3A_138 = arith.constant 1.000000e+00 : f32
    %logistic3A_139 = vector.broadcast %logistic3A_138 : f32 to vector<64x128xf32>
    %logistic3A_140 = arith.addf %logistic3A_139, %logistic3A_137 : vector<64x128xf32>
    %logistic3A_141 = arith.divf %logistic3A_139, %logistic3A_140 : vector<64x128xf32>
    %mul3A_142 = arith.mulf %logistic3A_132, %add3A_70 : vector<64x128xf32>
    %mul3A_143 = arith.mulf %logistic3A_125, %tanh3A_134 : vector<64x128xf32>
    %add3A_144 = arith.addf %mul3A_142, %mul3A_143 : vector<64x128xf32>
    %tanh3A_145 = math.tanh %add3A_144 : vector<64x128xf32>
    %mul3A_146 = arith.mulf %logistic3A_141, %tanh3A_145 : vector<64x128xf32>
    %dot_general3A_147 = arith.constant dense<0.000000e+00> : vector<10000x64xf32>
    %dot_general3A_148 = tpu.matmul %add3A_22, %mul3A_146, %dot_general3A_147 {dimension_numbers = #tpu.dot_dimension_numbers<[1], [1], [0], [0], [0, 0, 1, 0], [], []>, transpose_lhs_hint = false} : vector<10000x128xf32>, vector<64x128xf32>, vector<10000x64xf32> -> vector<10000x64xf32>
    %gt3A_149 = arith.constant 0.000000e+00 : f32
    %gt3A_150 = vector.broadcast %gt3A_149 : f32 to vector<10000x64xf32>
    %gt3A_151 = arith.cmpf ogt, %convert_element_type3A_27, %gt3A_150 : vector<10000x64xf32>
    %jit3A_152 = arith.constant -1.000000e+30 : f32
    %broadcast_in_dim3A_153 = vector.broadcast %jit3A_152 : f32 to vector<10000x64xf32>
    %select_n3A_154 = arith.select %gt3A_151, %dot_general3A_148, %broadcast_in_dim3A_153 : vector<10000x64xi1>, vector<10000x64xf32>
    %reduce_max3A_155 = arith.constant dense<0xFF800000> : vector<64xf32>
    %reduce_max3A_156 = vector.multi_reduction <maximumf>, %select_n3A_154, %reduce_max3A_155 [0] : vector<10000x64xf32> to vector<64xf32>
    %broadcast_in_dim3A_157 = vector.shape_cast %reduce_max3A_156 : vector<64xf32> to vector<1x64xf32>
    %gt3A_158 = arith.constant 0.000000e+00 : f32
    %gt3A_159 = vector.broadcast %gt3A_158 : f32 to vector<10000x64xf32>
    %gt3A_160 = arith.cmpf ogt, %convert_element_type3A_27, %gt3A_159 : vector<10000x64xf32>
    %jit3A_161 = arith.constant -1.000000e+30 : f32
    %broadcast_in_dim3A_162 = vector.shape_cast %broadcast_in_dim3A_157 : vector<1x64xf32> to vector<1x64xf32>
    %broadcast_in_dim3A_163 = vector.broadcast %broadcast_in_dim3A_162 : vector<1x64xf32> to vector<10000x64xf32>
    %broadcast_in_dim3A_164 = vector.broadcast %jit3A_161 : f32 to vector<10000x64xf32>
    %select_n3A_165 = arith.select %gt3A_160, %broadcast_in_dim3A_163, %broadcast_in_dim3A_164 : vector<10000x64xi1>, vector<10000x64xf32>
    %reduce_max3A_166 = arith.constant dense<0xFF800000> : vector<10000xf32>
    %reduce_max3A_167 = vector.multi_reduction <maximumf>, %select_n3A_165, %reduce_max3A_166 [1] : vector<10000x64xf32> to vector<10000xf32>
    %broadcast_in_dim3A_168 = vector.shape_cast %reduce_max3A_167 : vector<10000xf32> to vector<10000x1xf32>
    %mul3A_169 = arith.mulf %convert_element_type3A_27, %dot_general3A_148 : vector<10000x64xf32>
    %reduce_sum3A_170 = arith.constant dense<0.000000e+00> : vector<10000xf32>
    %reduce_sum3A_171 = vector.multi_reduction <add>, %mul3A_169, %reduce_sum3A_170 [1] : vector<10000x64xf32> to vector<10000xf32>
    %broadcast_in_dim3A_172 = vector.shape_cast %reduce_sum3A_171 : vector<10000xf32> to vector<10000x1xf32>
    %sub3A_173 = arith.subf %broadcast_in_dim3A_172, %broadcast_in_dim3A_168 : vector<10000x1xf32>
    %exp3A_174 = math.exp %sub3A_173 : vector<10000x1xf32>
    %mul3A_175 = vector.broadcast %exp3A_174 : vector<10000x1xf32> to vector<10000x128xf32>
    %mul3A_176 = arith.mulf %mul3A_175, %add3A_22 : vector<10000x128xf32>
    %dot_general3A_177 = arith.constant dense<0.000000e+00> : vector<64x128xf32>
    %dot_general3A_178 = tpu.matmul %convert_element_type3A_27, %mul3A_176, %dot_general3A_177 {dimension_numbers = #tpu.dot_dimension_numbers<[0], [0], [1], [1], [0, 1, 1, 1], [], []>, transpose_lhs_hint = false} : vector<10000x64xf32>, vector<10000x128xf32>, vector<64x128xf32> -> vector<64x128xf32>
    %dot_general3A_179 = arith.constant dense<0.000000e+00> : vector<64x1xf32>
    %dot_general3A_180 = tpu.matmul %convert_element_type3A_27, %exp3A_174, %dot_general3A_179 {dimension_numbers = #tpu.dot_dimension_numbers<[0], [0], [1], [1], [0, 1, 1, 1], [], []>, transpose_lhs_hint = false} : vector<10000x64xf32>, vector<10000x1xf32>, vector<64x1xf32> -> vector<64x1xf32>
    %max3A_181 = arith.constant 1.000000e-30 : f32
    %max3A_182 = vector.broadcast %max3A_181 : f32 to vector<64x1xf32>
    %max3A_183 = arith.maximumf %dot_general3A_180, %max3A_182 : vector<64x1xf32>
    %div3A_184 = vector.broadcast %max3A_183 : vector<64x1xf32> to vector<64x128xf32>
    %div3A_185 = arith.divf %dot_general3A_178, %div3A_184 : vector<64x128xf32>
    %concatenate3A_186 = tpu.concatenate %mul3A_146, %div3A_185 in 1 : vector<64x128xf32>, vector<64x128xf32> -> vector<64x256xf32>
    %get3A_187 = arith.constant 0 : index
    %get3A_188 = arith.constant 0 : index
    %get3A_189 = vector.load %arg4[%get3A_187, %get3A_188] : memref<256x512xf32, #tpu.memory_space<vmem>>, vector<256x512xf32>
    %dot_general3A_190 = arith.constant dense<0.000000e+00> : vector<64x512xf32>
    %dot_general3A_191 = tpu.matmul %concatenate3A_186, %get3A_189, %dot_general3A_190 {dimension_numbers = #tpu.dot_dimension_numbers<[1], [0], [0], [1], [0, 0, 1, 1], [], []>, transpose_lhs_hint = false} : vector<64x256xf32>, vector<256x512xf32>, vector<64x512xf32> -> vector<64x512xf32>
    %get3A_192 = arith.constant 0 : index
    %get3A_193 = arith.constant 0 : index
    %get3A_194 = vector.load %arg5[%get3A_192, %get3A_193] : memref<128x512xf32, #tpu.memory_space<vmem>>, vector<128x512xf32>
    %dot_general3A_195 = arith.constant dense<0.000000e+00> : vector<64x512xf32>
    %dot_general3A_196 = tpu.matmul %mul3A_146, %get3A_194, %dot_general3A_195 {dimension_numbers = #tpu.dot_dimension_numbers<[1], [0], [0], [1], [0, 0, 1, 1], [], []>, transpose_lhs_hint = false} : vector<64x128xf32>, vector<128x512xf32>, vector<64x512xf32> -> vector<64x512xf32>
    %add3A_197 = arith.addf %dot_general3A_191, %dot_general3A_196 : vector<64x512xf32>
    %get3A_198 = arith.constant 0 : index
    %get3A_199 = arith.constant 0 : index
    %get3A_200 = vector.load %arg6[%get3A_198, %get3A_199] : memref<1x512xf32, #tpu.memory_space<vmem>>, vector<1x512xf32>
    %add3A_201 = vector.broadcast %get3A_200 : vector<1x512xf32> to vector<64x512xf32>
    %add3A_202 = arith.addf %add3A_197, %add3A_201 : vector<64x512xf32>
    %slice3A_203 = vector.extract_strided_slice %add3A_202 {offsets = [0, 0], sizes = [64, 128], strides = [1, 1]} : vector<64x512xf32> to vector<64x128xf32>
    %logistic3A_204 = arith.negf %slice3A_203 : vector<64x128xf32>
    %logistic3A_205 = math.exp %logistic3A_204 : vector<64x128xf32>
    %logistic3A_206 = arith.constant 1.000000e+00 : f32
    %logistic3A_207 = vector.broadcast %logistic3A_206 : f32 to vector<64x128xf32>
    %logistic3A_208 = arith.addf %logistic3A_207, %logistic3A_205 : vector<64x128xf32>
    %logistic3A_209 = arith.divf %logistic3A_207, %logistic3A_208 : vector<64x128xf32>
    %slice3A_210 = vector.extract_strided_slice %add3A_202 {offsets = [0, 128], sizes = [64, 128], strides = [1, 1]} : vector<64x512xf32> to vector<64x128xf32>
    %logistic3A_211 = arith.negf %slice3A_210 : vector<64x128xf32>
    %logistic3A_212 = math.exp %logistic3A_211 : vector<64x128xf32>
    %logistic3A_213 = arith.constant 1.000000e+00 : f32
    %logistic3A_214 = vector.broadcast %logistic3A_213 : f32 to vector<64x128xf32>
    %logistic3A_215 = arith.addf %logistic3A_214, %logistic3A_212 : vector<64x128xf32>
    %logistic3A_216 = arith.divf %logistic3A_214, %logistic3A_215 : vector<64x128xf32>
    %slice3A_217 = vector.extract_strided_slice %add3A_202 {offsets = [0, 256], sizes = [64, 128], strides = [1, 1]} : vector<64x512xf32> to vector<64x128xf32>
    %tanh3A_218 = math.tanh %slice3A_217 : vector<64x128xf32>
    %slice3A_219 = vector.extract_strided_slice %add3A_202 {offsets = [0, 384], sizes = [64, 128], strides = [1, 1]} : vector<64x512xf32> to vector<64x128xf32>
    %logistic3A_220 = arith.negf %slice3A_219 : vector<64x128xf32>
    %logistic3A_221 = math.exp %logistic3A_220 : vector<64x128xf32>
    %logistic3A_222 = arith.constant 1.000000e+00 : f32
    %logistic3A_223 = vector.broadcast %logistic3A_222 : f32 to vector<64x128xf32>
    %logistic3A_224 = arith.addf %logistic3A_223, %logistic3A_221 : vector<64x128xf32>
    %logistic3A_225 = arith.divf %logistic3A_223, %logistic3A_224 : vector<64x128xf32>
    %mul3A_226 = arith.mulf %logistic3A_216, %add3A_144 : vector<64x128xf32>
    %mul3A_227 = arith.mulf %logistic3A_209, %tanh3A_218 : vector<64x128xf32>
    %add3A_228 = arith.addf %mul3A_226, %mul3A_227 : vector<64x128xf32>
    %tanh3A_229 = math.tanh %add3A_228 : vector<64x128xf32>
    %mul3A_230 = arith.mulf %logistic3A_225, %tanh3A_229 : vector<64x128xf32>
    %dot_general3A_231 = arith.constant dense<0.000000e+00> : vector<10000x64xf32>
    %dot_general3A_232 = tpu.matmul %add3A_22, %mul3A_230, %dot_general3A_231 {dimension_numbers = #tpu.dot_dimension_numbers<[1], [1], [0], [0], [0, 0, 1, 0], [], []>, transpose_lhs_hint = false} : vector<10000x128xf32>, vector<64x128xf32>, vector<10000x64xf32> -> vector<10000x64xf32>
    %gt3A_233 = arith.constant 0.000000e+00 : f32
    %gt3A_234 = vector.broadcast %gt3A_233 : f32 to vector<10000x64xf32>
    %gt3A_235 = arith.cmpf ogt, %convert_element_type3A_27, %gt3A_234 : vector<10000x64xf32>
    %jit3A_236 = arith.constant -1.000000e+30 : f32
    %broadcast_in_dim3A_237 = vector.broadcast %jit3A_236 : f32 to vector<10000x64xf32>
    %select_n3A_238 = arith.select %gt3A_235, %dot_general3A_232, %broadcast_in_dim3A_237 : vector<10000x64xi1>, vector<10000x64xf32>
    %reduce_max3A_239 = arith.constant dense<0xFF800000> : vector<64xf32>
    %reduce_max3A_240 = vector.multi_reduction <maximumf>, %select_n3A_238, %reduce_max3A_239 [0] : vector<10000x64xf32> to vector<64xf32>
    %broadcast_in_dim3A_241 = vector.shape_cast %reduce_max3A_240 : vector<64xf32> to vector<1x64xf32>
    %gt3A_242 = arith.constant 0.000000e+00 : f32
    %gt3A_243 = vector.broadcast %gt3A_242 : f32 to vector<10000x64xf32>
    %gt3A_244 = arith.cmpf ogt, %convert_element_type3A_27, %gt3A_243 : vector<10000x64xf32>
    %jit3A_245 = arith.constant -1.000000e+30 : f32
    %broadcast_in_dim3A_246 = vector.shape_cast %broadcast_in_dim3A_241 : vector<1x64xf32> to vector<1x64xf32>
    %broadcast_in_dim3A_247 = vector.broadcast %broadcast_in_dim3A_246 : vector<1x64xf32> to vector<10000x64xf32>
    %broadcast_in_dim3A_248 = vector.broadcast %jit3A_245 : f32 to vector<10000x64xf32>
    %select_n3A_249 = arith.select %gt3A_244, %broadcast_in_dim3A_247, %broadcast_in_dim3A_248 : vector<10000x64xi1>, vector<10000x64xf32>
    %reduce_max3A_250 = arith.constant dense<0xFF800000> : vector<10000xf32>
    %reduce_max3A_251 = vector.multi_reduction <maximumf>, %select_n3A_249, %reduce_max3A_250 [1] : vector<10000x64xf32> to vector<10000xf32>
    %broadcast_in_dim3A_252 = vector.shape_cast %reduce_max3A_251 : vector<10000xf32> to vector<10000x1xf32>
    %mul3A_253 = arith.mulf %convert_element_type3A_27, %dot_general3A_232 : vector<10000x64xf32>
    %reduce_sum3A_254 = arith.constant dense<0.000000e+00> : vector<10000xf32>
    %reduce_sum3A_255 = vector.multi_reduction <add>, %mul3A_253, %reduce_sum3A_254 [1] : vector<10000x64xf32> to vector<10000xf32>
    %broadcast_in_dim3A_256 = vector.shape_cast %reduce_sum3A_255 : vector<10000xf32> to vector<10000x1xf32>
    %sub3A_257 = arith.subf %broadcast_in_dim3A_256, %broadcast_in_dim3A_252 : vector<10000x1xf32>
    %exp3A_258 = math.exp %sub3A_257 : vector<10000x1xf32>
    %mul3A_259 = vector.broadcast %exp3A_258 : vector<10000x1xf32> to vector<10000x128xf32>
    %mul3A_260 = arith.mulf %mul3A_259, %add3A_22 : vector<10000x128xf32>
    %dot_general3A_261 = arith.constant dense<0.000000e+00> : vector<64x128xf32>
    %dot_general3A_262 = tpu.matmul %convert_element_type3A_27, %mul3A_260, %dot_general3A_261 {dimension_numbers = #tpu.dot_dimension_numbers<[0], [0], [1], [1], [0, 1, 1, 1], [], []>, transpose_lhs_hint = false} : vector<10000x64xf32>, vector<10000x128xf32>, vector<64x128xf32> -> vector<64x128xf32>
    %dot_general3A_263 = arith.constant dense<0.000000e+00> : vector<64x1xf32>
    %dot_general3A_264 = tpu.matmul %convert_element_type3A_27, %exp3A_258, %dot_general3A_263 {dimension_numbers = #tpu.dot_dimension_numbers<[0], [0], [1], [1], [0, 1, 1, 1], [], []>, transpose_lhs_hint = false} : vector<10000x64xf32>, vector<10000x1xf32>, vector<64x1xf32> -> vector<64x1xf32>
    %max3A_265 = arith.constant 1.000000e-30 : f32
    %max3A_266 = vector.broadcast %max3A_265 : f32 to vector<64x1xf32>
    %max3A_267 = arith.maximumf %dot_general3A_264, %max3A_266 : vector<64x1xf32>
    %div3A_268 = vector.broadcast %max3A_267 : vector<64x1xf32> to vector<64x128xf32>
    %div3A_269 = arith.divf %dot_general3A_262, %div3A_268 : vector<64x128xf32>
    %concatenate3A_270 = tpu.concatenate %mul3A_230, %div3A_269 in 1 : vector<64x128xf32>, vector<64x128xf32> -> vector<64x256xf32>
    %get3A_271 = arith.constant 0 : index
    %get3A_272 = arith.constant 0 : index
    %get3A_273 = vector.load %arg7[%get3A_271, %get3A_272] : memref<256x1xf32, #tpu.memory_space<vmem>>, vector<256x1xf32>
    %dot_general3A_274 = arith.constant dense<0.000000e+00> : vector<64x1xf32>
    %dot_general3A_275 = tpu.matmul %concatenate3A_270, %get3A_273, %dot_general3A_274 {dimension_numbers = #tpu.dot_dimension_numbers<[1], [0], [0], [1], [0, 0, 1, 1], [], []>, transpose_lhs_hint = false} : vector<64x256xf32>, vector<256x1xf32>, vector<64x1xf32> -> vector<64x1xf32>
    %get3A_276 = arith.constant 0 : index
    %get3A_277 = arith.constant 0 : index
    %get3A_278 = vector.load %arg8[%get3A_276, %get3A_277] : memref<1x1xf32, #tpu.memory_space<vmem>>, vector<1x1xf32>
    %add3A_279 = vector.broadcast %get3A_278 : vector<1x1xf32> to vector<64x1xf32>
    %add3A_280 = arith.addf %dot_general3A_275, %add3A_279 : vector<64x1xf32>
    %swap3A = arith.constant 0 : index
    %swap3A_281 = arith.constant 0 : index
    %swap3A_282 = vector.load %arg9[%swap3A, %swap3A_281] : memref<64x1xf32, #tpu.memory_space<vmem>>, vector<64x1xf32>
    tpu.vector_store %arg9[%swap3A, %swap3A_281], %add3A_280 {strides = array<i32>} : memref<64x1xf32, #tpu.memory_space<vmem>>, vector<64x1xf32>,
    return
  }
}

</mosaic_0001>

<sc_bundles>
// kernel: kernel.10.cloned.1.call-start
scs
__scs_entry_jumppad:
0x0: {  	(pc) =	sbr.rel $0x88, $3  }
0x1: {  	(tag) =	ssettag $0x0;
	lr =	simm.s32 $0x1  }
0x2: {  	[smem:$0x3F96] =	sst lr;
	_ =	strace $0xD0000000  }
0x3: {  	_ = 	snop  }
0x4: {  	_ = 	snop  }
0x5: {  	_ = 	snop  }
0x6: {  	_ = 	snop  }
0x7: {  	_ = 	snop  }
__scs_overlays_trampoline_lowered:
0x8: {  	[smem:$0x3FA5] =	sst s0  }
0x9: {  	[smem:$0x3FA6] =	sst s1  }
0xa: {  	[smem:$0x3FA7] =	sst s2  }
0xb: {  	[smem:$0x3FA8] =	sst s3  }
0xc: {  	[smem:$0x3FA9] =	sst s4  }
0xd: {  	[smem:$0x3FAA] =	sst s5  }
0xe: {  	[smem:$0x3FAB] =	sst s6  }
0xf: {  	[smem:$0x3FAC] =	sst s7  }
0x10: {  	[smem:$0x3FAD] =	sst s8  }
0x11: {  	[smem:$0x3FAE] =	sst s9;
	s0 =	simm.s32 @!p0 $0x0  }
0x12: {  	s1 =	sld [smem:$0x3F94];
	s0 =	simm.s32 @p0 $0x1  }
0x13: {  	[smem:$0x3FAF] =	sst s0;
	s0 =	simm.s32 @!p1 $0x0  }
0x14: {  	s2 =	sld [smem:$0x3F93];
	s0 =	simm.s32 @p1 $0x1  }
0x15: {  	[smem:$0x3FB0] =	sst s0;
	s0 =	simm.s32 @!p2 $0x0  }
0x16: {  	s3 =	sld [smem:$0x3FDB];
	s0 =	simm.s32 @p2 $0x1  }
0x17: {  	s4 =	simm.s32 $0x1BF5;
	[smem:$0x3FB2] =	sst s0  }
0x18: {  	s0 =	sld [smem:$0x3F95];
	_ =	swait.ge [sflag:s4], $0x0  }
0x19: {  	s7 =	sld [smem:$0x3F96]  }
0x1a: {  	s8 =	sadd.s32 $0xFFFFE003, lr  }
0x1b: {  	s9 =	sadd.s32 $0xFFFFFEF7, lr;
	s5 =	simm.s32 $0xFFFFFFFF;
	p2 =	slt.u32 s8, $0xFFFFF086  }
0x1c: {  	p1 =	slt.u32 s9, $0xF7A;
	s5 =	simm.s32 @!p2 $0x0  }
0x1d: {  	s5 =	simm.s32 @p1 $0x1;
	p0 =	seq.s32 s7, s2  }
0x1e: {  	s7 =	smul.u32 @!p0 $0xF7A, s2;
	p2 =	seq.s32 @!p0 s5, $0x0  }
0x1f: {  	s9 =	smul.u32 $0xF7A, s1;
	s8 =	simm.s32 @!p0 $0x1BF5;
	p2 =	por !p2, p0  }
0x20: {  	[sflag:s8] =	ssyncset.s32 @!p0 $0xFFFFF086;
	s6 =	sadd.s32 @!p0 s3, s7;
	s7 =	simm.s32 @!p0 $0x108  }
0x21: {  	s3 =	sadd.s32 s3, s9;
	s6 =	sadd.s32 @!p0 $0x88, s6;
	s7 =	simm.s32 @p2 $0x1082  }
0x22: {  	[simem:s7], [sflag:s8] =	dma.local @!p0 [hbm:s6], $0xF7A  }
0x23: {  	s9 =	sor.u32 $0xD0000000, s2;
	s6 =	simm.s32 $0x108;
	_ =	swait.ge @!p0 [sflag:s8], $0x0  }
0x24: {  	s3 =	sadd.s32 $0x88, s3;
	s6 =	simm.s32 @!p1 $0x1082;
	[sflag:s4] =	ssyncset.s32 $0xFFFFF086  }
0x25: {  	[simem:s6], [sflag:s4] =	dma.local [hbm:s3], $0xF7A  }
0x26: {  	[smem:$0x3F96] =	sst s1;
	(tag) =	ssettag s2;
	_ =	strace s9  }
0x27: {  	s1 =	sld [smem:$0x3FA6]  }
0x28: {  	s2 =	sld [smem:$0x3FA7]  }
0x29: {  	s4 =	sld [smem:$0x3FA9]  }
0x2a: {  	p0 =	seq.s32 s5, $0x0;
	s5 =	sld [smem:$0x3FAA]  }
0x2b: {  	s6 =	sld [smem:$0x3FAB]  }
0x2c: {  	s7 =	sld [smem:$0x3FAC]  }
0x2d: {  	s3 =	simm.s32 $0x108;
	s8 =	sld [smem:$0x3FAD]  }
0x2e: {  	s3 =	simm.s32 @!p0 $0x1082;
	s9 =	sld [smem:$0x3FAE]  }
0x2f: {  	lr =	sadd.s32 s0, s3;
	s0 =	sld [smem:$0x3FA5]  }
0x30: {  	s3 =	sld [smem:$0x3FA8]  }
0x31: {  	[smem:$0x3FB1] =	sst s10  }
0x32: {  	s10 =	sld [smem:$0x3FAF];
	_ =	sdelay $0x3  }
0x33: {  	p0 =	seq.s32 s10, $0x1;
	s10 =	sld [smem:$0x3FB1];
	_ =	sdelay $0x3  }
0x34: {  	[smem:$0x3FB1] =	sst s10  }
0x35: {  	s10 =	sld [smem:$0x3FB0];
	_ =	sdelay $0x3  }
0x36: {  	p1 =	seq.s32 s10, $0x1;
	s10 =	sld [smem:$0x3FB1];
	_ =	sdelay $0x3  }
0x37: {  	[smem:$0x3FB1] =	sst s10  }
0x38: {  	s10 =	sld [smem:$0x3FB2]  }
0x39: {  	_ = 	snop;
	(pc) =	sbr.ind lr, $3  }
0x3a: {  	_ = 	snop  }
0x3b: {  	_ = 	snop  }
0x3c: {  	p2 =	seq.s32 s10, $0x1;
	s10 =	sld [smem:$0x3FB1]  }
0x3d: {  	_ =	shalt  }
0x3e: {  	_ =	shalt  }
0x3f: {  	_ =	shalt  }
0x40: {  	_ =	shalt  }
0x41: {  	_ =	shalt  }
0x42: {  	_ =	shalt  }
0x43: {  	_ =	shalt  }
0x44: {  	_ =	shalt  }
0x45: {  	_ =	shalt  }
0x46: {  	_ =	shalt  }
0x47: {  	_ =	shalt  }
0x48: {  	_ =	shalt  }
0x49: {  	_ =	shalt  }
0x4a: {  	_ =	shalt  }
0x4b: {  	_ =	shalt  }
0x4c: {  	_ =	shalt  }
0x4d: {  	_ =	shalt  }
0x4e: {  	_ =	shalt  }
0x4f: {  	_ =	shalt  }
0x50: {  	_ =	shalt  }
0x51: {  	_ =	shalt  }
0x52: {  	_ =	shalt  }
0x53: {  	_ =	shalt  }
0x54: {  	_ =	shalt  }
0x55: {  	_ =	shalt  }
0x56: {  	_ =	shalt  }
0x57: {  	_ =	shalt  }
0x58: {  	_ =	shalt  }
0x59: {  	_ =	shalt  }
0x5a: {  	_ =	shalt  }
0x5b: {  	_ =	shalt  }
0x5c: {  	_ =	shalt  }
0x5d: {  	_ =	shalt  }
0x5e: {  	_ =	shalt  }
0x5f: {  	_ =	shalt  }
0x60: {  	_ =	shalt  }
0x61: {  	_ =	shalt  }
0x62: {  	_ =	shalt  }
0x63: {  	_ =	shalt  }
0x64: {  	_ =	shalt  }
0x65: {  	_ =	shalt  }
0x66: {  	_ =	shalt  }
0x67: {  	_ =	shalt  }
0x68: {  	_ =	shalt  }
0x69: {  	_ =	shalt  }
0x6a: {  	_ =	shalt  }
0x6b: {  	_ =	shalt  }
0x6c: {  	_ =	shalt  }
0x6d: {  	_ =	shalt  }
0x6e: {  	_ =	shalt  }
0x6f: {  	_ =	shalt  }
0x70: {  	_ =	shalt  }
0x71: {  	_ =	shalt  }
0x72: {  	_ =	shalt  }
0x73: {  	_ =	shalt  }
0x74: {  	_ =	shalt  }
0x75: {  	_ =	shalt  }
0x76: {  	_ =	shalt  }
0x77: {  	_ =	shalt  }
0x78: {  	_ =	shalt  }
0x79: {  	_ =	shalt  }
0x7a: {  	_ =	shalt  }
0x7b: {  	_ =	shalt  }
0x7c: {  	_ =	shalt  }
0x7d: {  	_ =	shalt  }
0x7e: {  	_ =	shalt  }
0x7f: {  	_ =	shalt  }
0x80: {  	_ =	shalt  }
0x81: {  	_ =	shalt  }
0x82: {  	_ =	shalt  }
0x83: {  	_ =	shalt  }
0x84: {  	_ =	shalt  }
0x85: {  	_ =	shalt  }
0x86: {  	_ =	shalt  }
0x87: {  	_ =	shalt  }
.Lfunc_end0:
.L_simem_size_0:
called_computation_lowered:
.L_overlay_start_0:
0x88: {  	s2 =	sld [smem:$0x3FD9]  }
0x89: {  	s3 =	sld [smem:$0x3FFE];
	_ =	sdelay $0x1  }
0x8a: {  	s1 =	srdreg.scid  }
0x8b: {  	s0 =	sand.u32 $0x1, s1  }
0x8c: {  	s17 =	sshll.u32 s0, $0xA;
	s2 =	sadd.s32 s3, s2  }
0x8d: {  	s2 =	sadd.s32 s2, s17  }
0x8e: {  	[smem:$0x3FBD] =	sst s2  }
0x8f: {  	_ = 	snop  }
0x90: {  	(tm) =	ssettm $0x1  }
0x91: {  	s18 =	sld [smem:$0x3FFB];
	_ =	sdelay $0x3  }
0x92: {  	_ =	strace s18  }
0x93: {  	s2 =	sld [smem:$0x3FFC];
	_ =	sdelay $0x3  }
0x94: {  	_ =	strace s2  }
0x95: {  	s2 =	sld [smem:$0x3FFD];
	_ =	sdelay $0x3  }
0x96: {  	_ =	strace s2  }
0x97: {  	_ =	strace $0x8FFFFFFF  }
0x98: {  	s19 =	sld [smem:$0x3FDB];
	_ =	sdelay $0x1  }
0x99: {  	s20 =	simm.s32 $_scs_section_size  }
0x9a: {  	s4 =	simm.s32 $_size__tile_overlayer_lowered;
	s5 =	simm.s32 $_tile_overlayer_lowered  }
0x9b: {  	s6 =	simm.s32 $0x1BFF;
	s21 =	sshll.u32 s5, $0x1;
	s3 =	sadd.s32 s20, s19  }
0x9c: {  	s22 =	simm.s32 $0x0;
	s4 =	sshll.u32 s4, $0x1;
	s5 =	sadd.s32 s21, s3  }
0x9d: {  	[timem:s22], [sflag:s6] =	dma.local [hbm:s5], s4  }
0x9e: {  	_ =	swait.ge [sflag:s6], s4  }
0x9f: {  	s4 =	ssub.s32 $0x0, s4;
	[sflag:s6] =	ssyncset.done $0x0  }
0xa0: {  	[sflag:s6] =	ssyncadd.s32 s4;
	_ =	sdelay $0x1  }
0xa1: {  	s23 =	simm.s32 $0x1B8B  }
0xa2: {  	_ =	swait.ge [sflag:s23], $0x1  }
0xa3: {  	[sflag:s23] =	ssyncset.done $0x0  }
0xa4: {  	[sflag:s23] =	ssyncadd.s32 $0xFFFFFFFF  }
0xa5: {  	s4 =	sld [smem:$0x0]  }
0xa6: {  	s5 =	sand.u32 $0xFFFFFFFE, s1  }
0xa7: {  	p0 =	sne.s32 s1, s5  }
0xa8: {  	s5 =	sshll.u32 @p0 s5, $0xE  }
0xa9: {  	s5 =	sadd.s32 @p0 $0x11B8D, s5;
	s6 =	sshll.u32 @p0 s4, $0x11  }
0xaa: {  	s5 =	sor.u32 @p0 s6, s5  }
0xab: {  	[sflag:s5] =	ssyncadd.remote.s32 @p0 $0x1;
	_ =	sdelay $0x1  }
0xac: {  	s5 =	simm.s32 @p0 $0x1B8D  }
0xad: {  	_ =	swait.eq @p0 [sflag:s5], $0x1  }
0xae: {  	[sflag:s5] =	ssyncadd.s32 @p0 $0xFFFFFFFF  }
0xaf: {  	s6 =	sshll.u32 @!p0 s1, $0xE  }
0xb0: {  	s6 =	sor.u32 @!p0 $0x4000, s6;
	s5 =	simm.s32 @!p0 $0x1B8D  }
0xb1: {  	s4 =	sshll.u32 @!p0 s4, $0x11;
	s6 =	sadd.s32 @!p0 $0x11B8D, s6;
	_ =	swait.eq @!p0 [sflag:s5], $0x1  }
0xb2: {  	s4 =	sor.u32 @!p0 s4, s6;
	[sflag:s5] =	ssyncadd.s32 @!p0 $0xFFFFFFFF  }
0xb3: {  	s25 =	simm.s32 $0x1B8E;
	s24 =	sld [smem:$0x3FFE];
	[sflag:s4] =	ssyncadd.remote.s32 @!p0 $0x1  }
0xb4: {  	s26 =	simm.s32 $execute0_lowered;
	[smem:$0x3FD2] =	sst s25  }
0xb5: {  	s5 =	sshll.u32 s26, $0x1;
	_ =	strace $0x80000049;
	[dreg:$0x1] =	wrdreg $0xFFFFFFFF  }
0xb6: {  	s28 =	simm.s32 $_size_execute0_lowered;
	s3 =	sadd.s32 s3, s5;
	[dreg:$0x0] =	wrdreg $0x0  }
0xb7: {  	s5 =	sshll.u32 s28, $0x1;
	[dreg:$0x2] =	wrdreg s3  }
0xb8: {  	[dreg:$0x3] =	wrdreg s5  }
0xb9: {  	[dreg:$0x4] =	wrdreg $0xC0  }
0xba: {  	_ =	task [dreg:s22], $0x5FFFF  }
0xbb: {  	[dreg:$0x1] =	wrdreg $0xFFFFFFFF  }
0xbc: {  	[dreg:$0x0] =	wrdreg $0x60  }
0xbd: {  	[dreg:$0x2] =	wrdreg s24  }
0xbe: {  	[dreg:$0x3] =	wrdreg $0x0  }
0xbf: {  	[dreg:$0x4] =	wrdreg $0x9  }
0xc0: {  	_ =	task.clear_ibuf [dreg:s22], $0x5FFFF;
	_ =	strace $0x90000049  }
0xc1: {  	s29 =	simm.s32 $0x9;
	_ =	strace $0x8000004B  }
0xc2: {  	_ =	swait.ge [sflag:s29], $0x1  }
0xc3: {  	[sflag:s29] =	ssyncadd.s32 $0xFFFFFFFF  }
0xc4: {  	_ =	strace $0x9000004B  }
0xc5: {  	_ =	sfence  }
0xc6: {  	s30 =	sld [smem:$0x0];
	_ =	sdelay $0x2  }
0xc7: {  	s31 =	sshll.u32 s1, $0xD;
	s1 =	sshrl.u32 s1, $0x2  }
0xc8: {  	s4 =	sand.u32 $0x4000, s31;
	s1 =	sadd.s32 s1, s30  }
0xc9: {  	s0 =	sor.u32 s4, s0;
	s1 =	sshll.u32 s1, $0x11  }
0xca: {  	s0 =	sor.u32 s1, s0  }
0xcb: {  	s0 =	sadd.s32 $0x8F2B, s0  }
0xcc: {  	[sflag:s0] =	ssyncadd.remote.s32 $0x1  }
0xcd: {  	_ =	sfence.sel $0xFFFF  }
0xce: {  	[dreg:$0x0] =	wrdreg $0xFFFFFFFF;
	(pc) =	sbr.abs _section_cstart, $3  }
0xcf: {  	[dreg:$0x1] =	wrdreg $0xFFFFFFFF  }
0xd0: {  	_ =	task.clear_ibuf [dreg:s22], $0x2FFFF;
	_ =	strace $0x9FFFFFFF  }
0xd1: {  	(tm) =	ssettm $0x7FFFFFFF  }
tec
execute0_lowered:
.L_overlay_start_1:
0x0: {  	(tag) =	ssettag $0x1  }
0x1: {  	s0 =	srdreg.scid;
	s6 =	rddreg [dreg:$0x0]  }
0x2: {  	s2 =	rddreg [dreg:$0x1];
	s7 =	sand.u32 $0x1, s0  }
0x3: {  	s0 =	stileid.u32;
	s4 =	smul.u32 $0x27100, s7  }
0x4: {  	s1 =	rddreg [dreg:$0x2];
	s5 =	smul.u32 $0x2710, s0  }
0x5: {  	s3 =	simm.s32 $0x0;
	s13 =	simm.s32 $0x14000;
	s8 =	smul.u32 $0x140000, s7  }
0x6: {  	s14 =	simm.s32 $0x50;
	s15 =	simm.s32 $0x0;
	s30 =	smul.u32 $0x14000, s0  }
0x7: {  	[smem:$0x7FF] =	sst s3;
	s10 =	smul.u32 $0x50000, s0;
	s31 =	ssub.s32 $0x2, s7  }
0x8: {  	_ =	strace $0x8000004A;
	s11 =	sshll.u32 s0, $0x6;
	s7 =	sshrl.u32 s31, $0x1  }
0x9: {  	s4 =	sadd.s32 s5, s4;
	s5 =	sadd.s32 s30, s8;
	s10 =	sshrl.u32 s10, $0x2  }
0xa: {  	s12 =	ssub.s32 s31, s7;
	s4 =	sshrl.u32 s4, $0x3;
	s8 =	sshrl.u32 s5, $0x3  }
0xb: {  	s5 =	sadd.s32 $0x8FE00, s6;
	s10 =	sadd.s32 s10, s2;
	s9 =	sadd.s32 s4, s6  }
0xc: {  	s4 =	sadd.s32 $0x3D600, s6;
	s8 =	sadd.s32 s8, s6;
	s6 =	sor.u32 $0x1C01, s11  }
0xd: {  	s10 =	sshrl.u32 s10, $0x3;
	s11 =	simm.s32 $0x1;
	s7 =	sadd.s32 $0x90400, s8  }
0xe: {  	s8 =	smax.u32 s12, $0x1;
	s9 =	sadd.s32 $0x2800, s9;
	s12 =	simm.s32 $0x14080  }
.LBB2_1:
0xf: {  	[spmem:s10], [sflag:s6] =	dma.local [hbm:s4], $0x2800  }
0x10: {  	_ =	swait.ge [sflag:s11], $0x2800  }
0x11: {  	[sflag:s11] =	ssyncset.done $0x0  }
0x12: {  	[sflag:s11] =	ssyncadd.s32 $0xFFFFD800  }
0x13: {  	[tilespmem:s12], [sflag:$0x1] =	stream.linear.gather [hbm4b:s5+s3], $0x2800, $0x38;
	[tilespmem:$0x16880] =	vst v63  }
0x14: {  	_ =	swait.ge [sflag:s11], $0x2800  }
0x15: {  	[sflag:s11] =	ssyncset.done $0x0  }
0x16: {  	[sflag:s11] =	ssyncadd.s32 $0xFFFFD800  }
0x17: {  	s16 =	sadd.s32 $0x0, s9;
	[bflag:$0x0] =	sbarrier.arrive $0xFFFF  }
0x18: {  	[tilespmem:s13], [sflag:$0x1] =	stream.linear.gather [hbm4b:s16+s3], $0x50, $0x38;
	[tilespmem:$0x16880] =	vst v63  }
0x19: {  	_ =	swait.ge [sflag:s11], $0x50  }
0x1a: {  	[sflag:s11] =	ssyncset.done $0x0  }
0x1b: {  	[sflag:s11] =	ssyncadd.s32 $0xFFFFFFB0  }
0x1c: {  	[spmem:s2] =	stream.indirect.scatter.add.f32 [tilespmem:s12], [sflag:$0x1], $0x80, s13, s14, $0xb8;
	[tilespmem:$0x16880] =	vst v63  }
0x1d: {  	_ =	swait.ge [sflag:s11], $0x2800  }
0x1e: {  	s17 =	simm.s32 $0x14;
	s16 =	simm.s32 $0xA;
	[sflag:s11] =	ssyncset.done $0x0  }
.LBB2_2:
0x1f: {  	s18 =	sadd.s32 s16, s9  }
0x20: {  	[sflag:s11] =	ssyncadd.s32 $0xFFFFD800;
	s16 =	smov.u32 s17;
	s19 =	sadd.s32 $0xA, s17  }
0x21: {  	[tilespmem:s13], [sflag:$0x1] =	stream.linear.gather [hbm4b:s18+s3], $0x50, $0x38;
	[tilespmem:$0x16880] =	vst v63  }
0x22: {  	p0 =	sne.s32 s17, $0x4D8;
	_ =	swait.ge [sflag:s11], $0x50  }
.Ltmp0:
0x23: {  	[sflag:s11] =	ssyncset.done $0x0;
	(pc) =	sbr.rel @p0 .LBB2_2-.Ltmp0, $4  }
0x24: {  	[sflag:s11] =	ssyncadd.s32 $0xFFFFFFB0  }
0x25: {  	[spmem:s2] =	stream.indirect.scatter.add.f32 [tilespmem:s12], [sflag:$0x1], $0x80, s13, s14, $0xb8;
	[tilespmem:$0x16880] =	vst v63  }
0x26: {  	_ =	swait.ge [sflag:s11], $0x2800  }
0x27: {  	s17 =	smov.u32 s19;
	[sflag:s11] =	ssyncset.done $0x0  }
0x28: {  	s16 =	sadd.s32 s16, s9;
	[sflag:s11] =	ssyncadd.s32 $0xFFFFD800  }
0x29: {  	[tilespmem:s13], [sflag:$0x1] =	stream.linear.gather [hbm4b:s16+s3], $0x50, $0x38;
	[tilespmem:$0x16880] =	vst v63  }
0x2a: {  	_ =	swait.ge [sflag:s11], $0x50  }
0x2b: {  	[sflag:s11] =	ssyncset.done $0x0  }
0x2c: {  	[sflag:s11] =	ssyncadd.s32 $0xFFFFFFB0  }
0x2d: {  	[spmem:s2] =	stream.indirect.scatter.add.f32 [tilespmem:s12], [sflag:$0x1], $0x80, s13, s14, $0xb8;
	[tilespmem:$0x16880] =	vst v63  }
0x2e: {  	_ =	swait.ge [sflag:s11], $0x2800  }
0x2f: {  	s15 =	sadd.s32 $0x1, s15;
	[sflag:s11] =	ssyncset.done $0x0  }
0x30: {  	p0 =	sne.s32 s15, s8;
	[sflag:s11] =	ssyncadd.s32 $0xFFFFD800  }
.Ltmp1:
0x31: {  	[bflag:$0x0] =	sbarrier.arrive $0xFFFF;
	(pc) =	sbr.rel @p0 .LBB2_1-.Ltmp1, $4  }
0x32: {  	[hbm:s7], [sflag:s6] =	dma.local [spmem:s10], $0x2800  }
0x33: {  	_ =	swait.ge [sflag:s11], $0x2800  }
0x34: {  	[sflag:s11] =	ssyncset.done $0x0  }
0x35: {  	[sflag:s11] =	ssyncadd.s32 $0xFFFFD800  }
0x36: {  	_ =	sfence.sel $0x180000  }
0x37: {  	[bflag:$0x0] =	sbarrier.arrive $0xFFFF  }
0x38: {  	p0 =	sne.s32 s0, $0x0;
	_ =	strace $0x9000004A  }
0x39: {  	s0 =	sadd.s32 @!p0 $0x100000, s1;
	[bflag:$0x2] =	sbarrier.arrive $0xFFFF  }
0x3a: {  	[sflag:s0] =	ssyncadd.tile.s32 @!p0 $0x1;
	_ =	shalt  }
.Lfunc_end2:
_tile_overlayer_lowered:
.L_overlay_start_2:
0x3b: {  	(tag) =	ssettag $0x2  }
0x3c: {  	s0 =	rddreg [dreg:$0x0];
	s2 =	stileid.u32  }
0x3d: {  	s1 =	rddreg [dreg:$0x1];
	p0 =	sne.s32 s2, $0x0  }
0x3e: {  	s3 =	rddreg [dreg:$0x2];
	[bflag:$0x3] =	sbarrier.arrive $0xFFFF;
	s2 =	simm.s32 @!p0 $0x1C01  }
0x3f: {  	[timem:s3], [sflag:s2] =	dma.local @!p0 [hbm:s0], s1  }
0x40: {  	s0 =	simm.s32 @!p0 $0x1  }
0x41: {  	_ =	swait.ge @!p0 [sflag:s0], s1  }
0x42: {  	s1 =	ssub.s32 @!p0 $0x0, s1;
	[sflag:s0] =	ssyncset.done @!p0 $0x0  }
0x43: {  	[sflag:s0] =	ssyncadd.s32 @!p0 s1  }
0x44: {  	[bflag:$0x3] =	sbarrier.arrive $0xFFFF  }
0x45: {  	_ =	shalt  }

// kernel: kernel.13.cloned.1.call-start
scs
__scs_entry_jumppad:
0x0: {  	(pc) =	sbr.rel $0x88, $3  }
0x1: {  	(tag) =	ssettag $0x0;
	lr =	simm.s32 $0x1  }
0x2: {  	[smem:$0x3F96] =	sst lr;
	_ =	strace $0xD0000000  }
0x3: {  	_ = 	snop  }
0x4: {  	_ = 	snop  }
0x5: {  	_ = 	snop  }
0x6: {  	_ = 	snop  }
0x7: {  	_ = 	snop  }
__scs_overlays_trampoline_lowered:
0x8: {  	[smem:$0x3FA5] =	sst s0  }
0x9: {  	[smem:$0x3FA6] =	sst s1  }
0xa: {  	[smem:$0x3FA7] =	sst s2  }
0xb: {  	[smem:$0x3FA8] =	sst s3  }
0xc: {  	[smem:$0x3FA9] =	sst s4  }
0xd: {  	[smem:$0x3FAA] =	sst s5  }
0xe: {  	[smem:$0x3FAB] =	sst s6  }
0xf: {  	[smem:$0x3FAC] =	sst s7  }
0x10: {  	[smem:$0x3FAD] =	sst s8  }
0x11: {  	[smem:$0x3FAE] =	sst s9;
	s0 =	simm.s32 @!p0 $0x0  }
0x12: {  	s1 =	sld [smem:$0x3F94];
	s0 =	simm.s32 @p0 $0x1  }
0x13: {  	[smem:$0x3FAF] =	sst s0;
	s0 =	simm.s32 @!p1 $0x0  }
0x14: {  	s2 =	sld [smem:$0x3F93];
	s0 =	simm.s32 @p1 $0x1  }
0x15: {  	[smem:$0x3FB0] =	sst s0;
	s0 =	simm.s32 @!p2 $0x0  }
0x16: {  	s3 =	sld [smem:$0x3FDB];
	s0 =	simm.s32 @p2 $0x1  }
0x17: {  	s4 =	simm.s32 $0x1BF5;
	[smem:$0x3FB2] =	sst s0  }
0x18: {  	s0 =	sld [smem:$0x3F95];
	_ =	swait.ge [sflag:s4], $0x0  }
0x19: {  	s7 =	sld [smem:$0x3F96]  }
0x1a: {  	s8 =	sadd.s32 $0xFFFFE003, lr  }
0x1b: {  	s9 =	sadd.s32 $0xFFFFFEF7, lr;
	s5 =	simm.s32 $0xFFFFFFFF;
	p2 =	slt.u32 s8, $0xFFFFF086  }
0x1c: {  	p1 =	slt.u32 s9, $0xF7A;
	s5 =	simm.s32 @!p2 $0x0  }
0x1d: {  	s5 =	simm.s32 @p1 $0x1;
	p0 =	seq.s32 s7, s2  }
0x1e: {  	s7 =	smul.u32 @!p0 $0xF7A, s2;
	p2 =	seq.s32 @!p0 s5, $0x0  }
0x1f: {  	s9 =	smul.u32 $0xF7A, s1;
	s8 =	simm.s32 @!p0 $0x1BF5;
	p2 =	por !p2, p0  }
0x20: {  	[sflag:s8] =	ssyncset.s32 @!p0 $0xFFFFF086;
	s6 =	sadd.s32 @!p0 s3, s7;
	s7 =	simm.s32 @!p0 $0x108  }
0x21: {  	s3 =	sadd.s32 s3, s9;
	s6 =	sadd.s32 @!p0 $0x88, s6;
	s7 =	simm.s32 @p2 $0x1082  }
0x22: {  	[simem:s7], [sflag:s8] =	dma.local @!p0 [hbm:s6], $0xF7A  }
0x23: {  	s9 =	sor.u32 $0xD0000000, s2;
	s6 =	simm.s32 $0x108;
	_ =	swait.ge @!p0 [sflag:s8], $0x0  }
0x24: {  	s3 =	sadd.s32 $0x88, s3;
	s6 =	simm.s32 @!p1 $0x1082;
	[sflag:s4] =	ssyncset.s32 $0xFFFFF086  }
0x25: {  	[simem:s6], [sflag:s4] =	dma.local [hbm:s3], $0xF7A  }
0x26: {  	[smem:$0x3F96] =	sst s1;
	(tag) =	ssettag s2;
	_ =	strace s9  }
0x27: {  	s1 =	sld [smem:$0x3FA6]  }
0x28: {  	s2 =	sld [smem:$0x3FA7]  }
0x29: {  	s4 =	sld [smem:$0x3FA9]  }
0x2a: {  	p0 =	seq.s32 s5, $0x0;
	s5 =	sld [smem:$0x3FAA]  }
0x2b: {  	s6 =	sld [smem:$0x3FAB]  }
0x2c: {  	s7 =	sld [smem:$0x3FAC]  }
0x2d: {  	s3 =	simm.s32 $0x108;
	s8 =	sld [smem:$0x3FAD]  }
0x2e: {  	s3 =	simm.s32 @!p0 $0x1082;
	s9 =	sld [smem:$0x3FAE]  }
0x2f: {  	lr =	sadd.s32 s0, s3;
	s0 =	sld [smem:$0x3FA5]  }
0x30: {  	s3 =	sld [smem:$0x3FA8]  }
0x31: {  	[smem:$0x3FB1] =	sst s10  }
0x32: {  	s10 =	sld [smem:$0x3FAF];
	_ =	sdelay $0x3  }
0x33: {  	p0 =	seq.s32 s10, $0x1;
	s10 =	sld [smem:$0x3FB1];
	_ =	sdelay $0x3  }
0x34: {  	[smem:$0x3FB1] =	sst s10  }
0x35: {  	s10 =	sld [smem:$0x3FB0];
	_ =	sdelay $0x3  }
0x36: {  	p1 =	seq.s32 s10, $0x1;
	s10 =	sld [smem:$0x3FB1];
	_ =	sdelay $0x3  }
0x37: {  	[smem:$0x3FB1] =	sst s10  }
0x38: {  	s10 =	sld [smem:$0x3FB2]  }
0x39: {  	_ = 	snop;
	(pc) =	sbr.ind lr, $3  }
0x3a: {  	_ = 	snop  }
0x3b: {  	_ = 	snop  }
0x3c: {  	p2 =	seq.s32 s10, $0x1;
	s10 =	sld [smem:$0x3FB1]  }
0x3d: {  	_ =	shalt  }
0x3e: {  	_ =	shalt  }
0x3f: {  	_ =	shalt  }
0x40: {  	_ =	shalt  }
0x41: {  	_ =	shalt  }
0x42: {  	_ =	shalt  }
0x43: {  	_ =	shalt  }
0x44: {  	_ =	shalt  }
0x45: {  	_ =	shalt  }
0x46: {  	_ =	shalt  }
0x47: {  	_ =	shalt  }
0x48: {  	_ =	shalt  }
0x49: {  	_ =	shalt  }
0x4a: {  	_ =	shalt  }
0x4b: {  	_ =	shalt  }
0x4c: {  	_ =	shalt  }
0x4d: {  	_ =	shalt  }
0x4e: {  	_ =	shalt  }
0x4f: {  	_ =	shalt  }
0x50: {  	_ =	shalt  }
0x51: {  	_ =	shalt  }
0x52: {  	_ =	shalt  }
0x53: {  	_ =	shalt  }
0x54: {  	_ =	shalt  }
0x55: {  	_ =	shalt  }
0x56: {  	_ =	shalt  }
0x57: {  	_ =	shalt  }
0x58: {  	_ =	shalt  }
0x59: {  	_ =	shalt  }
0x5a: {  	_ =	shalt  }
0x5b: {  	_ =	shalt  }
0x5c: {  	_ =	shalt  }
0x5d: {  	_ =	shalt  }
0x5e: {  	_ =	shalt  }
0x5f: {  	_ =	shalt  }
0x60: {  	_ =	shalt  }
0x61: {  	_ =	shalt  }
0x62: {  	_ =	shalt  }
0x63: {  	_ =	shalt  }
0x64: {  	_ =	shalt  }
0x65: {  	_ =	shalt  }
0x66: {  	_ =	shalt  }
0x67: {  	_ =	shalt  }
0x68: {  	_ =	shalt  }
0x69: {  	_ =	shalt  }
0x6a: {  	_ =	shalt  }
0x6b: {  	_ =	shalt  }
0x6c: {  	_ =	shalt  }
0x6d: {  	_ =	shalt  }
0x6e: {  	_ =	shalt  }
0x6f: {  	_ =	shalt  }
0x70: {  	_ =	shalt  }
0x71: {  	_ =	shalt  }
0x72: {  	_ =	shalt  }
0x73: {  	_ =	shalt  }
0x74: {  	_ =	shalt  }
0x75: {  	_ =	shalt  }
0x76: {  	_ =	shalt  }
0x77: {  	_ =	shalt  }
0x78: {  	_ =	shalt  }
0x79: {  	_ =	shalt  }
0x7a: {  	_ =	shalt  }
0x7b: {  	_ =	shalt  }
0x7c: {  	_ =	shalt  }
0x7d: {  	_ =	shalt  }
0x7e: {  	_ =	shalt  }
0x7f: {  	_ =	shalt  }
0x80: {  	_ =	shalt  }
0x81: {  	_ =	shalt  }
0x82: {  	_ =	shalt  }
0x83: {  	_ =	shalt  }
0x84: {  	_ =	shalt  }
0x85: {  	_ =	shalt  }
0x86: {  	_ =	shalt  }
0x87: {  	_ =	shalt  }
.Lfunc_end0:
.L_simem_size_0:
called_computation.1_lowered:
.L_overlay_start_0:
0x88: {  	s2 =	sld [smem:$0x3FD9]  }
0x89: {  	s3 =	sld [smem:$0x3FFE];
	_ =	sdelay $0x1  }
0x8a: {  	s1 =	srdreg.scid  }
0x8b: {  	s0 =	sand.u32 $0x1, s1  }
0x8c: {  	s16 =	sshll.u32 s0, $0xA;
	s2 =	sadd.s32 s3, s2  }
0x8d: {  	s2 =	sadd.s32 s2, s16  }
0x8e: {  	[smem:$0x3FBD] =	sst s2  }
0x8f: {  	_ = 	snop  }
0x90: {  	(tm) =	ssettm $0x1  }
0x91: {  	s17 =	sld [smem:$0x3FFB];
	_ =	sdelay $0x3  }
0x92: {  	_ =	strace s17  }
0x93: {  	s2 =	sld [smem:$0x3FFC];
	_ =	sdelay $0x3  }
0x94: {  	_ =	strace s2  }
0x95: {  	s2 =	sld [smem:$0x3FFD];
	_ =	sdelay $0x3  }
0x96: {  	_ =	strace s2  }
0x97: {  	_ =	strace $0x8FFFFFFF  }
0x98: {  	s18 =	sld [smem:$0x3FDB];
	_ =	sdelay $0x1  }
0x99: {  	s19 =	simm.s32 $_scs_section_size  }
0x9a: {  	s4 =	simm.s32 $_size__tile_overlayer_lowered;
	s5 =	simm.s32 $_tile_overlayer_lowered  }
0x9b: {  	s22 =	simm.s32 $0x1BFF;
	s21 =	sshll.u32 s5, $0x1;
	s2 =	sadd.s32 s19, s18  }
0x9c: {  	s6 =	simm.s32 $0x0;
	s20 =	sshll.u32 s4, $0x1;
	s4 =	sadd.s32 s21, s2  }
0x9d: {  	[timem:s6], [sflag:s22] =	dma.local [hbm:s4], s20  }
0x9e: {  	_ =	swait.ge [sflag:s22], s20  }
0x9f: {  	s3 =	ssub.s32 $0x0, s20;
	[sflag:s22] =	ssyncset.done $0x0  }
0xa0: {  	[sflag:s22] =	ssyncadd.s32 s3;
	_ =	sdelay $0x1  }
0xa1: {  	s23 =	simm.s32 $0x1B8B  }
0xa2: {  	_ =	swait.ge [sflag:s23], $0x1  }
0xa3: {  	[sflag:s23] =	ssyncset.done $0x0  }
0xa4: {  	s25 =	simm.s32 $0x1B8E;
	s24 =	sld [smem:$0x3FFE];
	[sflag:s23] =	ssyncadd.s32 $0xFFFFFFFF  }
0xa5: {  	s26 =	simm.s32 $execute0_lowered;
	[smem:$0x3FD2] =	sst s25  }
0xa6: {  	s4 =	sshll.u32 s26, $0x1;
	_ =	strace $0x80000046;
	[dreg:$0x1] =	wrdreg $0xFFFFFFFF  }
0xa7: {  	s28 =	simm.s32 $_size_execute0_lowered;
	s2 =	sadd.s32 s2, s4;
	[dreg:$0x0] =	wrdreg $0x0  }
0xa8: {  	s4 =	sshll.u32 s28, $0x1;
	[dreg:$0x2] =	wrdreg s2  }
0xa9: {  	[dreg:$0x3] =	wrdreg s4  }
0xaa: {  	[dreg:$0x4] =	wrdreg $0xC0  }
0xab: {  	_ =	task [dreg:s6], $0x5FFFF  }
0xac: {  	[dreg:$0x1] =	wrdreg $0xFFFFFFFF  }
0xad: {  	[dreg:$0x0] =	wrdreg $0x60  }
0xae: {  	[dreg:$0x2] =	wrdreg s24  }
0xaf: {  	[dreg:$0x3] =	wrdreg $0x0  }
0xb0: {  	[dreg:$0x4] =	wrdreg $0xA  }
0xb1: {  	_ =	task.clear_ibuf [dreg:s6], $0x5FFFF;
	_ =	strace $0x90000046  }
0xb2: {  	s29 =	simm.s32 $0xA;
	_ =	strace $0x80000048  }
0xb3: {  	_ =	swait.ge [sflag:s29], $0x1  }
0xb4: {  	[sflag:s29] =	ssyncadd.s32 $0xFFFFFFFF  }
0xb5: {  	_ =	strace $0x90000048  }
0xb6: {  	_ =	sfence  }
0xb7: {  	s30 =	sld [smem:$0x0];
	_ =	sdelay $0x2  }
0xb8: {  	s31 =	sshll.u32 s1, $0xD;
	s1 =	sshrl.u32 s1, $0x2  }
0xb9: {  	s3 =	sand.u32 $0x4000, s31;
	s1 =	sadd.s32 s1, s30  }
0xba: {  	s0 =	sor.u32 s3, s0;
	s1 =	sshll.u32 s1, $0x11  }
0xbb: {  	s0 =	sor.u32 s1, s0  }
0xbc: {  	s0 =	sadd.s32 $0x8F2B, s0  }
0xbd: {  	[sflag:s0] =	ssyncadd.remote.s32 $0x1  }
0xbe: {  	_ =	sfence.sel $0xFFFF  }
0xbf: {  	[dreg:$0x0] =	wrdreg $0xFFFFFFFF;
	(pc) =	sbr.abs _section_cstart, $3  }
0xc0: {  	[dreg:$0x1] =	wrdreg $0xFFFFFFFF  }
0xc1: {  	_ =	task.clear_ibuf [dreg:s6], $0x2FFFF;
	_ =	strace $0x9FFFFFFF  }
0xc2: {  	(tm) =	ssettm $0x7FFFFFFF  }
0xc3: {  	_ =	shalt  }
tec
execute0_lowered:
.L_overlay_start_1:
0x0: {  	(tag) =	ssettag $0x1  }
0x1: {  	s6 =	rddreg [dreg:$0x0]  }
0x2: {  	s0 =	srdreg.scid;
	s2 =	rddreg [dreg:$0x1]  }
0x3: {  	s1 =	rddreg [dreg:$0x2];
	s7 =	sand.u32 $0x1, s0  }
0x4: {  	s3 =	simm.s32 $0x0;
	s0 =	stileid.u32;
	s4 =	smul.u32 $0x27100, s7  }
0x5: {  	s14 =	simm.s32 $0x14080;
	s15 =	simm.s32 $0x50;
	s5 =	smul.u32 $0x2710, s0  }
0x6: {  	s16 =	simm.s32 $0x14100;
	s17 =	simm.s32 $0x1;
	s8 =	smul.u32 $0x140000, s7  }
0x7: {  	s18 =	simm.s32 $0x0;
	[smem:$0x7FF] =	sst s3;
	s9 =	smul.u32 $0x14000, s0  }
0x8: {  	_ =	strace $0x80000047;
	s30 =	smul.u32 $0x50000, s0;
	s31 =	ssub.s32 $0x2, s7  }
0x9: {  	s11 =	sshll.u32 s0, $0x6;
	s7 =	sshrl.u32 s31, $0x1;
	s5 =	sadd.s32 s5, s4  }
0xa: {  	s4 =	sadd.s32 $0x16400, s6;
	s8 =	sadd.s32 s9, s8;
	s9 =	sshrl.u32 s30, $0x2  }
0xb: {  	s12 =	ssub.s32 s31, s7;
	s5 =	sshrl.u32 s5, $0x3;
	s8 =	sshrl.u32 s8, $0x3  }
0xc: {  	s13 =	sadd.s32 s9, s2;
	s10 =	sadd.s32 s5, s6;
	s5 =	sadd.s32 $0x3D600, s6  }
0xd: {  	s8 =	sadd.s32 s8, s6;
	s6 =	sor.u32 $0x1C02, s11;
	s11 =	sshrl.u32 s13, $0x3  }
0xe: {  	s13 =	simm.s32 $0x14000;
	s7 =	sadd.s32 $0x3FE00, s8;
	s8 =	smax.u32 s12, $0x1  }
0xf: {  	s9 =	sadd.s32 $0x2800, s10;
	s10 =	sadd.s32 $0xC600, s10;
	s12 =	simm.s32 $0x2  }
.LBB2_1:
0x10: {  	[spmem:s11], [sflag:s6] =	dma.local [hbm:s5], $0x2800  }
0x11: {  	_ =	swait.ge [sflag:s12], $0x2800  }
0x12: {  	[sflag:s12] =	ssyncset.done $0x0  }
0x13: {  	[sflag:s12] =	ssyncadd.s32 $0xFFFFD800  }
0x14: {  	s19 =	sadd.s32 $0x0, s10;
	[bflag:$0x0] =	sbarrier.arrive $0xFFFF  }
0x15: {  	[tilespmem:s13], [sflag:$0x2] =	stream.linear.gather [hbm4b:s19+s3], $0x50, $0x38;
	[tilespmem:$0x16900] =	vst v63  }
0x16: {  	_ =	swait.ge [sflag:s12], $0x50  }
0x17: {  	[sflag:s12] =	ssyncset.done $0x0  }
0x18: {  	s31 =	sadd.s32 $0x0, s9;
	[sflag:s12] =	ssyncadd.s32 $0xFFFFFFB0  }
0x19: {  	[tilespmem:s14], [sflag:$0x2] =	stream.linear.gather [hbm4b:s31+s3], $0x50, $0x38;
	[tilespmem:$0x16900] =	vst v63  }
0x1a: {  	_ =	swait.ge [sflag:s12], $0x50  }
0x1b: {  	[sflag:s12] =	ssyncset.done $0x0  }
0x1c: {  	[sflag:s12] =	ssyncadd.s32 $0xFFFFFFB0  }
0x1d: {  	[tilespmem:s16], [sflag:$0x1] =	stream.indirect.gather [hbm4b:s4+s15], $0x80, s13, s15, $0xb8;
	[tilespmem:$0x16900] =	vst v63  }
0x1e: {  	_ =	swait.ge [sflag:s17], $0x2800  }
0x1f: {  	[sflag:s17] =	ssyncset.done $0x0  }
0x20: {  	[sflag:s17] =	ssyncadd.s32 $0xFFFFD800  }
0x21: {  	[spmem:s2] =	stream.indirect.scatter.add.f32 [tilespmem:s16], [sflag:$0x2], $0x80, s14, s15, $0xb8;
	[tilespmem:$0x16900] =	vst v63  }
0x22: {  	_ =	swait.ge [sflag:s12], $0x2800  }
0x23: {  	s20 =	simm.s32 $0x14;
	s19 =	simm.s32 $0xA;
	[sflag:s12] =	ssyncset.done $0x0  }
.LBB2_2:
0x24: {  	s21 =	sadd.s32 s19, s10  }
0x25: {  	[sflag:s12] =	ssyncadd.s32 $0xFFFFD800;
	s22 =	smov.u32 s20;
	s23 =	sadd.s32 $0xA, s20  }
0x26: {  	[tilespmem:s13], [sflag:$0x2] =	stream.linear.gather [hbm4b:s21+s3], $0x50, $0x38;
	[tilespmem:$0x16900] =	vst v63  }
0x27: {  	p0 =	sne.s32 s20, $0x4D8;
	_ =	swait.ge [sflag:s12], $0x50  }
0x28: {  	[sflag:s12] =	ssyncset.done $0x0  }
0x29: {  	s20 =	sadd.s32 s19, s9;
	s19 =	smov.u32 s22;
	[sflag:s12] =	ssyncadd.s32 $0xFFFFFFB0  }
0x2a: {  	[tilespmem:s14], [sflag:$0x2] =	stream.linear.gather [hbm4b:s20+s3], $0x50, $0x38;
	[tilespmem:$0x16900] =	vst v63  }
0x2b: {  	_ =	swait.ge [sflag:s12], $0x50  }
0x2c: {  	[sflag:s12] =	ssyncset.done $0x0  }
0x2d: {  	[sflag:s12] =	ssyncadd.s32 $0xFFFFFFB0  }
0x2e: {  	[tilespmem:s16], [sflag:$0x1] =	stream.indirect.gather [hbm4b:s4+s15], $0x80, s13, s15, $0xb8;
	[tilespmem:$0x16900] =	vst v63  }
0x2f: {  	_ =	swait.ge [sflag:s17], $0x2800  }
.Ltmp0:
0x30: {  	[sflag:s17] =	ssyncset.done $0x0;
	(pc) =	sbr.rel @p0 .LBB2_2-.Ltmp0, $4  }
0x31: {  	[sflag:s17] =	ssyncadd.s32 $0xFFFFD800  }
0x32: {  	[spmem:s2] =	stream.indirect.scatter.add.f32 [tilespmem:s16], [sflag:$0x2], $0x80, s14, s15, $0xb8;
	[tilespmem:$0x16900] =	vst v63  }
0x33: {  	_ =	swait.ge [sflag:s12], $0x2800  }
0x34: {  	s20 =	smov.u32 s23;
	[sflag:s12] =	ssyncset.done $0x0  }
0x35: {  	s20 =	sadd.s32 s19, s10;
	[sflag:s12] =	ssyncadd.s32 $0xFFFFD800  }
0x36: {  	[tilespmem:s13], [sflag:$0x2] =	stream.linear.gather [hbm4b:s20+s3], $0x50, $0x38;
	[tilespmem:$0x16900] =	vst v63  }
0x37: {  	_ =	swait.ge [sflag:s12], $0x50  }
0x38: {  	[sflag:s12] =	ssyncset.done $0x0  }
0x39: {  	s31 =	sadd.s32 s19, s9;
	[sflag:s12] =	ssyncadd.s32 $0xFFFFFFB0  }
0x3a: {  	[tilespmem:s14], [sflag:$0x2] =	stream.linear.gather [hbm4b:s31+s3], $0x50, $0x38;
	[tilespmem:$0x16900] =	vst v63  }
0x3b: {  	_ =	swait.ge [sflag:s12], $0x50  }
0x3c: {  	[sflag:s12] =	ssyncset.done $0x0  }
0x3d: {  	[sflag:s12] =	ssyncadd.s32 $0xFFFFFFB0  }
0x3e: {  	[tilespmem:s16], [sflag:$0x1] =	stream.indirect.gather [hbm4b:s4+s15], $0x80, s13, s15, $0xb8;
	[tilespmem:$0x16900] =	vst v63  }
0x3f: {  	_ =	swait.ge [sflag:s17], $0x2800  }
0x40: {  	[sflag:s17] =	ssyncset.done $0x0  }
0x41: {  	[sflag:s17] =	ssyncadd.s32 $0xFFFFD800  }
0x42: {  	[spmem:s2] =	stream.indirect.scatter.add.f32 [tilespmem:s16], [sflag:$0x2], $0x80, s14, s15, $0xb8;
	[tilespmem:$0x16900] =	vst v63  }
0x43: {  	_ =	swait.ge [sflag:s12], $0x2800  }
0x44: {  	s18 =	sadd.s32 $0x1, s18;
	[sflag:s12] =	ssyncset.done $0x0  }
0x45: {  	p0 =	sne.s32 s18, s8;
	[sflag:s12] =	ssyncadd.s32 $0xFFFFD800  }
.Ltmp1:
0x46: {  	[bflag:$0x0] =	sbarrier.arrive $0xFFFF;
	(pc) =	sbr.rel @p0 .LBB2_1-.Ltmp1, $4  }
0x47: {  	[hbm:s7], [sflag:s6] =	dma.local [spmem:s11], $0x2800  }
0x48: {  	_ =	swait.ge [sflag:s12], $0x2800  }
0x49: {  	[sflag:s12] =	ssyncset.done $0x0  }
0x4a: {  	[sflag:s12] =	ssyncadd.s32 $0xFFFFD800  }
0x4b: {  	_ =	sfence.sel $0x180000  }
0x4c: {  	[bflag:$0x0] =	sbarrier.arrive $0xFFFF  }
0x4d: {  	p0 =	sne.s32 s0, $0x0;
	_ =	strace $0x90000047  }
0x4e: {  	s0 =	sadd.s32 @!p0 $0x100000, s1;
	[bflag:$0x2] =	sbarrier.arrive $0xFFFF  }
0x4f: {  	[sflag:s0] =	ssyncadd.tile.s32 @!p0 $0x1;
	_ =	shalt  }
.Lfunc_end2:
_tile_overlayer_lowered:
.L_overlay_start_2:
0x50: {  	(tag) =	ssettag $0x2  }
0x51: {  	s0 =	rddreg [dreg:$0x0];
	s2 =	stileid.u32  }
0x52: {  	s1 =	rddreg [dreg:$0x1];
	p0 =	sne.s32 s2, $0x0  }
0x53: {  	s3 =	rddreg [dreg:$0x2];
	[bflag:$0x3] =	sbarrier.arrive $0xFFFF;
	s2 =	simm.s32 @!p0 $0x1C02  }
0x54: {  	[timem:s3], [sflag:s2] =	dma.local @!p0 [hbm:s0], s1  }
0x55: {  	s0 =	simm.s32 @!p0 $0x2  }
0x56: {  	_ =	swait.ge @!p0 [sflag:s0], s1  }
0x57: {  	s1 =	ssub.s32 @!p0 $0x0, s1;
	[sflag:s0] =	ssyncset.done @!p0 $0x0  }
0x58: {  	[sflag:s0] =	ssyncadd.s32 @!p0 s1  }
0x59: {  	[bflag:$0x3] =	sbarrier.arrive $0xFFFF  }
0x5a: {  	_ =	shalt  }

// kernel: kernel.16.cloned.1.call-start
scs
__scs_entry_jumppad:
0x0: {  	(pc) =	sbr.rel $0x88, $3  }
0x1: {  	(tag) =	ssettag $0x0;
	lr =	simm.s32 $0x1  }
0x2: {  	[smem:$0x3F96] =	sst lr;
	_ =	strace $0xD0000000  }
0x3: {  	_ = 	snop  }
0x4: {  	_ = 	snop  }
0x5: {  	_ = 	snop  }
0x6: {  	_ = 	snop  }
0x7: {  	_ = 	snop  }
__scs_overlays_trampoline_lowered:
0x8: {  	[smem:$0x3FA5] =	sst s0  }
0x9: {  	[smem:$0x3FA6] =	sst s1  }
0xa: {  	[smem:$0x3FA7] =	sst s2  }
0xb: {  	[smem:$0x3FA8] =	sst s3  }
0xc: {  	[smem:$0x3FA9] =	sst s4  }
0xd: {  	[smem:$0x3FAA] =	sst s5  }
0xe: {  	[smem:$0x3FAB] =	sst s6  }
0xf: {  	[smem:$0x3FAC] =	sst s7  }
0x10: {  	[smem:$0x3FAD] =	sst s8  }
0x11: {  	[smem:$0x3FAE] =	sst s9;
	s0 =	simm.s32 @!p0 $0x0  }
0x12: {  	s1 =	sld [smem:$0x3F94];
	s0 =	simm.s32 @p0 $0x1  }
0x13: {  	[smem:$0x3FAF] =	sst s0;
	s0 =	simm.s32 @!p1 $0x0  }
0x14: {  	s2 =	sld [smem:$0x3F93];
	s0 =	simm.s32 @p1 $0x1  }
0x15: {  	[smem:$0x3FB0] =	sst s0;
	s0 =	simm.s32 @!p2 $0x0  }
0x16: {  	s3 =	sld [smem:$0x3FDB];
	s0 =	simm.s32 @p2 $0x1  }
0x17: {  	s4 =	simm.s32 $0x1BF5;
	[smem:$0x3FB2] =	sst s0  }
0x18: {  	s0 =	sld [smem:$0x3F95];
	_ =	swait.ge [sflag:s4], $0x0  }
0x19: {  	s7 =	sld [smem:$0x3F96]  }
0x1a: {  	s8 =	sadd.s32 $0xFFFFE003, lr  }
0x1b: {  	s9 =	sadd.s32 $0xFFFFFEF7, lr;
	s5 =	simm.s32 $0xFFFFFFFF;
	p2 =	slt.u32 s8, $0xFFFFF086  }
0x1c: {  	p1 =	slt.u32 s9, $0xF7A;
	s5 =	simm.s32 @!p2 $0x0  }
0x1d: {  	s5 =	simm.s32 @p1 $0x1;
	p0 =	seq.s32 s7, s2  }
0x1e: {  	s7 =	smul.u32 @!p0 $0xF7A, s2;
	p2 =	seq.s32 @!p0 s5, $0x0  }
0x1f: {  	s9 =	smul.u32 $0xF7A, s1;
	s8 =	simm.s32 @!p0 $0x1BF5;
	p2 =	por !p2, p0  }
0x20: {  	[sflag:s8] =	ssyncset.s32 @!p0 $0xFFFFF086;
	s6 =	sadd.s32 @!p0 s3, s7;
	s7 =	simm.s32 @!p0 $0x108  }
0x21: {  	s3 =	sadd.s32 s3, s9;
	s6 =	sadd.s32 @!p0 $0x88, s6;
	s7 =	simm.s32 @p2 $0x1082  }
0x22: {  	[simem:s7], [sflag:s8] =	dma.local @!p0 [hbm:s6], $0xF7A  }
0x23: {  	s9 =	sor.u32 $0xD0000000, s2;
	s6 =	simm.s32 $0x108;
	_ =	swait.ge @!p0 [sflag:s8], $0x0  }
0x24: {  	s3 =	sadd.s32 $0x88, s3;
	s6 =	simm.s32 @!p1 $0x1082;
	[sflag:s4] =	ssyncset.s32 $0xFFFFF086  }
0x25: {  	[simem:s6], [sflag:s4] =	dma.local [hbm:s3], $0xF7A  }
0x26: {  	[smem:$0x3F96] =	sst s1;
	(tag) =	ssettag s2;
	_ =	strace s9  }
0x27: {  	s1 =	sld [smem:$0x3FA6]  }
0x28: {  	s2 =	sld [smem:$0x3FA7]  }
0x29: {  	s4 =	sld [smem:$0x3FA9]  }
0x2a: {  	p0 =	seq.s32 s5, $0x0;
	s5 =	sld [smem:$0x3FAA]  }
0x2b: {  	s6 =	sld [smem:$0x3FAB]  }
0x2c: {  	s7 =	sld [smem:$0x3FAC]  }
0x2d: {  	s3 =	simm.s32 $0x108;
	s8 =	sld [smem:$0x3FAD]  }
0x2e: {  	s3 =	simm.s32 @!p0 $0x1082;
	s9 =	sld [smem:$0x3FAE]  }
0x2f: {  	lr =	sadd.s32 s0, s3;
	s0 =	sld [smem:$0x3FA5]  }
0x30: {  	s3 =	sld [smem:$0x3FA8]  }
0x31: {  	[smem:$0x3FB1] =	sst s10  }
0x32: {  	s10 =	sld [smem:$0x3FAF];
	_ =	sdelay $0x3  }
0x33: {  	p0 =	seq.s32 s10, $0x1;
	s10 =	sld [smem:$0x3FB1];
	_ =	sdelay $0x3  }
0x34: {  	[smem:$0x3FB1] =	sst s10  }
0x35: {  	s10 =	sld [smem:$0x3FB0];
	_ =	sdelay $0x3  }
0x36: {  	p1 =	seq.s32 s10, $0x1;
	s10 =	sld [smem:$0x3FB1];
	_ =	sdelay $0x3  }
0x37: {  	[smem:$0x3FB1] =	sst s10  }
0x38: {  	s10 =	sld [smem:$0x3FB2]  }
0x39: {  	_ = 	snop;
	(pc) =	sbr.ind lr, $3  }
0x3a: {  	_ = 	snop  }
0x3b: {  	_ = 	snop  }
0x3c: {  	p2 =	seq.s32 s10, $0x1;
	s10 =	sld [smem:$0x3FB1]  }
0x3d: {  	_ =	shalt  }
0x3e: {  	_ =	shalt  }
0x3f: {  	_ =	shalt  }
0x40: {  	_ =	shalt  }
0x41: {  	_ =	shalt  }
0x42: {  	_ =	shalt  }
0x43: {  	_ =	shalt  }
0x44: {  	_ =	shalt  }
0x45: {  	_ =	shalt  }
0x46: {  	_ =	shalt  }
0x47: {  	_ =	shalt  }
0x48: {  	_ =	shalt  }
0x49: {  	_ =	shalt  }
0x4a: {  	_ =	shalt  }
0x4b: {  	_ =	shalt  }
0x4c: {  	_ =	shalt  }
0x4d: {  	_ =	shalt  }
0x4e: {  	_ =	shalt  }
0x4f: {  	_ =	shalt  }
0x50: {  	_ =	shalt  }
0x51: {  	_ =	shalt  }
0x52: {  	_ =	shalt  }
0x53: {  	_ =	shalt  }
0x54: {  	_ =	shalt  }
0x55: {  	_ =	shalt  }
0x56: {  	_ =	shalt  }
0x57: {  	_ =	shalt  }
0x58: {  	_ =	shalt  }
0x59: {  	_ =	shalt  }
0x5a: {  	_ =	shalt  }
0x5b: {  	_ =	shalt  }
0x5c: {  	_ =	shalt  }
0x5d: {  	_ =	shalt  }
0x5e: {  	_ =	shalt  }
0x5f: {  	_ =	shalt  }
0x60: {  	_ =	shalt  }
0x61: {  	_ =	shalt  }
0x62: {  	_ =	shalt  }
0x63: {  	_ =	shalt  }
0x64: {  	_ =	shalt  }
0x65: {  	_ =	shalt  }
0x66: {  	_ =	shalt  }
0x67: {  	_ =	shalt  }
0x68: {  	_ =	shalt  }
0x69: {  	_ =	shalt  }
0x6a: {  	_ =	shalt  }
0x6b: {  	_ =	shalt  }
0x6c: {  	_ =	shalt  }
0x6d: {  	_ =	shalt  }
0x6e: {  	_ =	shalt  }
0x6f: {  	_ =	shalt  }
0x70: {  	_ =	shalt  }
0x71: {  	_ =	shalt  }
0x72: {  	_ =	shalt  }
0x73: {  	_ =	shalt  }
0x74: {  	_ =	shalt  }
0x75: {  	_ =	shalt  }
0x76: {  	_ =	shalt  }
0x77: {  	_ =	shalt  }
0x78: {  	_ =	shalt  }
0x79: {  	_ =	shalt  }
0x7a: {  	_ =	shalt  }
0x7b: {  	_ =	shalt  }
0x7c: {  	_ =	shalt  }
0x7d: {  	_ =	shalt  }
0x7e: {  	_ =	shalt  }
0x7f: {  	_ =	shalt  }
0x80: {  	_ =	shalt  }
0x81: {  	_ =	shalt  }
0x82: {  	_ =	shalt  }
0x83: {  	_ =	shalt  }
0x84: {  	_ =	shalt  }
0x85: {  	_ =	shalt  }
0x86: {  	_ =	shalt  }
0x87: {  	_ =	shalt  }
.Lfunc_end0:
.L_simem_size_0:
called_computation.2_lowered:
.L_overlay_start_0:
0x88: {  	s2 =	sld [smem:$0x3FD9]  }
0x89: {  	s3 =	sld [smem:$0x3FFE];
	_ =	sdelay $0x1  }
0x8a: {  	s1 =	srdreg.scid  }
0x8b: {  	s0 =	sand.u32 $0x1, s1  }
0x8c: {  	s16 =	sshll.u32 s0, $0xA;
	s2 =	sadd.s32 s3, s2  }
0x8d: {  	s2 =	sadd.s32 s2, s16  }
0x8e: {  	[smem:$0x3FBD] =	sst s2  }
0x8f: {  	_ = 	snop  }
0x90: {  	(tm) =	ssettm $0x1  }
0x91: {  	s17 =	sld [smem:$0x3FFB];
	_ =	sdelay $0x3  }
0x92: {  	_ =	strace s17  }
0x93: {  	s2 =	sld [smem:$0x3FFC];
	_ =	sdelay $0x3  }
0x94: {  	_ =	strace s2  }
0x95: {  	s2 =	sld [smem:$0x3FFD];
	_ =	sdelay $0x3  }
0x96: {  	_ =	strace s2  }
0x97: {  	_ =	strace $0x8FFFFFFF  }
0x98: {  	s18 =	sld [smem:$0x3FDB];
	_ =	sdelay $0x1  }
0x99: {  	s19 =	simm.s32 $_scs_section_size  }
0x9a: {  	s4 =	simm.s32 $_size__tile_overlayer_lowered;
	s5 =	simm.s32 $_tile_overlayer_lowered  }
0x9b: {  	s22 =	simm.s32 $0x1BFF;
	s21 =	sshll.u32 s5, $0x1;
	s2 =	sadd.s32 s19, s18  }
0x9c: {  	s6 =	simm.s32 $0x0;
	s20 =	sshll.u32 s4, $0x1;
	s4 =	sadd.s32 s21, s2  }
0x9d: {  	[timem:s6], [sflag:s22] =	dma.local [hbm:s4], s20  }
0x9e: {  	_ =	swait.ge [sflag:s22], s20  }
0x9f: {  	s3 =	ssub.s32 $0x0, s20;
	[sflag:s22] =	ssyncset.done $0x0  }
0xa0: {  	[sflag:s22] =	ssyncadd.s32 s3;
	_ =	sdelay $0x1  }
0xa1: {  	s23 =	simm.s32 $0x1B8B  }
0xa2: {  	_ =	swait.ge [sflag:s23], $0x1  }
0xa3: {  	[sflag:s23] =	ssyncset.done $0x0  }
0xa4: {  	s25 =	simm.s32 $0x1B8E;
	s24 =	sld [smem:$0x3FFE];
	[sflag:s23] =	ssyncadd.s32 $0xFFFFFFFF  }
0xa5: {  	s26 =	simm.s32 $execute0_lowered;
	[smem:$0x3FD2] =	sst s25  }
0xa6: {  	s4 =	sshll.u32 s26, $0x1;
	_ =	strace $0x8000004C;
	[dreg:$0x1] =	wrdreg $0xFFFFFFFF  }
0xa7: {  	s28 =	simm.s32 $_size_execute0_lowered;
	s2 =	sadd.s32 s2, s4;
	[dreg:$0x0] =	wrdreg $0x0  }
0xa8: {  	s4 =	sshll.u32 s28, $0x1;
	[dreg:$0x2] =	wrdreg s2  }
0xa9: {  	[dreg:$0x3] =	wrdreg s4  }
0xaa: {  	[dreg:$0x4] =	wrdreg $0xC0  }
0xab: {  	_ =	task [dreg:s6], $0x5FFFF  }
0xac: {  	[dreg:$0x1] =	wrdreg $0xFFFFFFFF  }
0xad: {  	[dreg:$0x0] =	wrdreg $0x60  }
0xae: {  	[dreg:$0x2] =	wrdreg s24  }
0xaf: {  	[dreg:$0x3] =	wrdreg $0x0  }
0xb0: {  	[dreg:$0x4] =	wrdreg $0x9  }
0xb1: {  	_ =	task.clear_ibuf [dreg:s6], $0x5FFFF;
	_ =	strace $0x9000004C  }
0xb2: {  	s29 =	simm.s32 $0x9;
	_ =	strace $0x8000004E  }
0xb3: {  	_ =	swait.ge [sflag:s29], $0x1  }
0xb4: {  	[sflag:s29] =	ssyncadd.s32 $0xFFFFFFFF  }
0xb5: {  	_ =	strace $0x9000004E  }
0xb6: {  	_ =	sfence  }
0xb7: {  	s30 =	sld [smem:$0x0];
	_ =	sdelay $0x2  }
0xb8: {  	s31 =	sshll.u32 s1, $0xD;
	s1 =	sshrl.u32 s1, $0x2  }
0xb9: {  	s3 =	sand.u32 $0x4000, s31;
	s1 =	sadd.s32 s1, s30  }
0xba: {  	s0 =	sor.u32 s3, s0;
	s1 =	sshll.u32 s1, $0x11  }
0xbb: {  	s0 =	sor.u32 s1, s0  }
0xbc: {  	s0 =	sadd.s32 $0x8F2B, s0  }
0xbd: {  	[sflag:s0] =	ssyncadd.remote.s32 $0x1  }
0xbe: {  	_ =	sfence.sel $0xFFFF  }
0xbf: {  	[dreg:$0x0] =	wrdreg $0xFFFFFFFF;
	(pc) =	sbr.abs _section_cstart, $3  }
0xc0: {  	[dreg:$0x1] =	wrdreg $0xFFFFFFFF  }
0xc1: {  	_ =	task.clear_ibuf [dreg:s6], $0x2FFFF;
	_ =	strace $0x9FFFFFFF  }
0xc2: {  	(tm) =	ssettm $0x7FFFFFFF  }
0xc3: {  	_ =	shalt  }
tec
execute0_lowered:
.L_overlay_start_1:
0x0: {  	(tag) =	ssettag $0x1  }
0x1: {  	s6 =	rddreg [dreg:$0x0]  }
0x2: {  	s0 =	srdreg.scid;
	s2 =	rddreg [dreg:$0x1]  }
0x3: {  	s1 =	rddreg [dreg:$0x2];
	s7 =	sand.u32 $0x1, s0  }
0x4: {  	s3 =	simm.s32 $0x0;
	s0 =	stileid.u32;
	s4 =	smul.u32 $0x27100, s7  }
0x5: {  	s14 =	simm.s32 $0x14080;
	s15 =	simm.s32 $0x50;
	s5 =	smul.u32 $0x2710, s0  }
0x6: {  	s16 =	simm.s32 $0x14100;
	s17 =	simm.s32 $0x1;
	s8 =	smul.u32 $0x140000, s7  }
0x7: {  	s18 =	simm.s32 $0x0;
	[smem:$0x7FF] =	sst s3;
	s9 =	smul.u32 $0x14000, s0  }
0x8: {  	_ =	strace $0x8000004D;
	s30 =	smul.u32 $0x50000, s0;
	s31 =	ssub.s32 $0x2, s7  }
0x9: {  	s11 =	sshll.u32 s0, $0x6;
	s7 =	sshrl.u32 s31, $0x1;
	s5 =	sadd.s32 s5, s4  }
0xa: {  	s4 =	sadd.s32 $0x16400, s6;
	s8 =	sadd.s32 s9, s8;
	s9 =	sshrl.u32 s30, $0x2  }
0xb: {  	s12 =	ssub.s32 s31, s7;
	s5 =	sshrl.u32 s5, $0x3;
	s8 =	sshrl.u32 s8, $0x3  }
0xc: {  	s13 =	sadd.s32 s9, s2;
	s10 =	sadd.s32 s5, s6;
	s5 =	sadd.s32 $0x3D600, s6  }
0xd: {  	s8 =	sadd.s32 s8, s6;
	s6 =	sor.u32 $0x1C02, s11;
	s11 =	sshrl.u32 s13, $0x3  }
0xe: {  	s13 =	simm.s32 $0x14000;
	s7 =	sadd.s32 $0x3FE00, s8;
	s8 =	smax.u32 s12, $0x1  }
0xf: {  	s9 =	sadd.s32 $0x2800, s10;
	s10 =	sadd.s32 $0xC600, s10;
	s12 =	simm.s32 $0x2  }
.LBB2_1:
0x10: {  	[spmem:s11], [sflag:s6] =	dma.local [hbm:s5], $0x2800  }
0x11: {  	_ =	swait.ge [sflag:s12], $0x2800  }
0x12: {  	[sflag:s12] =	ssyncset.done $0x0  }
0x13: {  	[sflag:s12] =	ssyncadd.s32 $0xFFFFD800  }
0x14: {  	s19 =	sadd.s32 $0x0, s10;
	[bflag:$0x0] =	sbarrier.arrive $0xFFFF  }
0x15: {  	[tilespmem:s13], [sflag:$0x2] =	stream.linear.gather [hbm4b:s19+s3], $0x50, $0x38;
	[tilespmem:$0x16900] =	vst v63  }
0x16: {  	_ =	swait.ge [sflag:s12], $0x50  }
0x17: {  	[sflag:s12] =	ssyncset.done $0x0  }
0x18: {  	s31 =	sadd.s32 $0x0, s9;
	[sflag:s12] =	ssyncadd.s32 $0xFFFFFFB0  }
0x19: {  	[tilespmem:s14], [sflag:$0x2] =	stream.linear.gather [hbm4b:s31+s3], $0x50, $0x38;
	[tilespmem:$0x16900] =	vst v63  }
0x1a: {  	_ =	swait.ge [sflag:s12], $0x50  }
0x1b: {  	[sflag:s12] =	ssyncset.done $0x0  }
0x1c: {  	[sflag:s12] =	ssyncadd.s32 $0xFFFFFFB0  }
0x1d: {  	[tilespmem:s16], [sflag:$0x1] =	stream.indirect.gather [hbm4b:s4+s15], $0x80, s13, s15, $0xb8;
	[tilespmem:$0x16900] =	vst v63  }
0x1e: {  	_ =	swait.ge [sflag:s17], $0x2800  }
0x1f: {  	[sflag:s17] =	ssyncset.done $0x0  }
0x20: {  	[sflag:s17] =	ssyncadd.s32 $0xFFFFD800  }
0x21: {  	[spmem:s2] =	stream.indirect.scatter.add.f32 [tilespmem:s16], [sflag:$0x2], $0x80, s14, s15, $0xb8;
	[tilespmem:$0x16900] =	vst v63  }
0x22: {  	_ =	swait.ge [sflag:s12], $0x2800  }
0x23: {  	s20 =	simm.s32 $0x14;
	s19 =	simm.s32 $0xA;
	[sflag:s12] =	ssyncset.done $0x0  }
.LBB2_2:
0x24: {  	s21 =	sadd.s32 s19, s10  }
0x25: {  	[sflag:s12] =	ssyncadd.s32 $0xFFFFD800;
	s22 =	smov.u32 s20;
	s23 =	sadd.s32 $0xA, s20  }
0x26: {  	[tilespmem:s13], [sflag:$0x2] =	stream.linear.gather [hbm4b:s21+s3], $0x50, $0x38;
	[tilespmem:$0x16900] =	vst v63  }
0x27: {  	p0 =	sne.s32 s20, $0x4D8;
	_ =	swait.ge [sflag:s12], $0x50  }
0x28: {  	[sflag:s12] =	ssyncset.done $0x0  }
0x29: {  	s20 =	sadd.s32 s19, s9;
	s19 =	smov.u32 s22;
	[sflag:s12] =	ssyncadd.s32 $0xFFFFFFB0  }
0x2a: {  	[tilespmem:s14], [sflag:$0x2] =	stream.linear.gather [hbm4b:s20+s3], $0x50, $0x38;
	[tilespmem:$0x16900] =	vst v63  }
0x2b: {  	_ =	swait.ge [sflag:s12], $0x50  }
0x2c: {  	[sflag:s12] =	ssyncset.done $0x0  }
0x2d: {  	[sflag:s12] =	ssyncadd.s32 $0xFFFFFFB0  }
0x2e: {  	[tilespmem:s16], [sflag:$0x1] =	stream.indirect.gather [hbm4b:s4+s15], $0x80, s13, s15, $0xb8;
	[tilespmem:$0x16900] =	vst v63  }
0x2f: {  	_ =	swait.ge [sflag:s17], $0x2800  }
.Ltmp0:
0x30: {  	[sflag:s17] =	ssyncset.done $0x0;
	(pc) =	sbr.rel @p0 .LBB2_2-.Ltmp0, $4  }
0x31: {  	[sflag:s17] =	ssyncadd.s32 $0xFFFFD800  }
0x32: {  	[spmem:s2] =	stream.indirect.scatter.add.f32 [tilespmem:s16], [sflag:$0x2], $0x80, s14, s15, $0xb8;
	[tilespmem:$0x16900] =	vst v63  }
0x33: {  	_ =	swait.ge [sflag:s12], $0x2800  }
0x34: {  	s20 =	smov.u32 s23;
	[sflag:s12] =	ssyncset.done $0x0  }
0x35: {  	s20 =	sadd.s32 s19, s10;
	[sflag:s12] =	ssyncadd.s32 $0xFFFFD800  }
0x36: {  	[tilespmem:s13], [sflag:$0x2] =	stream.linear.gather [hbm4b:s20+s3], $0x50, $0x38;
	[tilespmem:$0x16900] =	vst v63  }
0x37: {  	_ =	swait.ge [sflag:s12], $0x50  }
0x38: {  	[sflag:s12] =	ssyncset.done $0x0  }
0x39: {  	s31 =	sadd.s32 s19, s9;
	[sflag:s12] =	ssyncadd.s32 $0xFFFFFFB0  }
0x3a: {  	[tilespmem:s14], [sflag:$0x2] =	stream.linear.gather [hbm4b:s31+s3], $0x50, $0x38;
	[tilespmem:$0x16900] =	vst v63  }
0x3b: {  	_ =	swait.ge [sflag:s12], $0x50  }
0x3c: {  	[sflag:s12] =	ssyncset.done $0x0  }
0x3d: {  	[sflag:s12] =	ssyncadd.s32 $0xFFFFFFB0  }
0x3e: {  	[tilespmem:s16], [sflag:$0x1] =	stream.indirect.gather [hbm4b:s4+s15], $0x80, s13, s15, $0xb8;
	[tilespmem:$0x16900] =	vst v63  }
0x3f: {  	_ =	swait.ge [sflag:s17], $0x2800  }
0x40: {  	[sflag:s17] =	ssyncset.done $0x0  }
0x41: {  	[sflag:s17] =	ssyncadd.s32 $0xFFFFD800  }
0x42: {  	[spmem:s2] =	stream.indirect.scatter.add.f32 [tilespmem:s16], [sflag:$0x2], $0x80, s14, s15, $0xb8;
	[tilespmem:$0x16900] =	vst v63  }
0x43: {  	_ =	swait.ge [sflag:s12], $0x2800  }
0x44: {  	s18 =	sadd.s32 $0x1, s18;
	[sflag:s12] =	ssyncset.done $0x0  }
0x45: {  	p0 =	sne.s32 s18, s8;
	[sflag:s12] =	ssyncadd.s32 $0xFFFFD800  }
.Ltmp1:
0x46: {  	[bflag:$0x0] =	sbarrier.arrive $0xFFFF;
	(pc) =	sbr.rel @p0 .LBB2_1-.Ltmp1, $4  }
0x47: {  	[hbm:s7], [sflag:s6] =	dma.local [spmem:s11], $0x2800  }
0x48: {  	_ =	swait.ge [sflag:s12], $0x2800  }
0x49: {  	[sflag:s12] =	ssyncset.done $0x0  }
0x4a: {  	[sflag:s12] =	ssyncadd.s32 $0xFFFFD800  }
0x4b: {  	_ =	sfence.sel $0x180000  }
0x4c: {  	[bflag:$0x0] =	sbarrier.arrive $0xFFFF  }
0x4d: {  	p0 =	sne.s32 s0, $0x0;
	_ =	strace $0x9000004D  }
0x4e: {  	s0 =	sadd.s32 @!p0 $0x100000, s1;
	[bflag:$0x2] =	sbarrier.arrive $0xFFFF  }
0x4f: {  	[sflag:s0] =	ssyncadd.tile.s32 @!p0 $0x1;
	_ =	shalt  }
.Lfunc_end2:
_tile_overlayer_lowered:
.L_overlay_start_2:
0x50: {  	(tag) =	ssettag $0x2  }
0x51: {  	s0 =	rddreg [dreg:$0x0];
	s2 =	stileid.u32  }
0x52: {  	s1 =	rddreg [dreg:$0x1];
	p0 =	sne.s32 s2, $0x0  }
0x53: {  	s3 =	rddreg [dreg:$0x2];
	[bflag:$0x3] =	sbarrier.arrive $0xFFFF;
	s2 =	simm.s32 @!p0 $0x1C02  }
0x54: {  	[timem:s3], [sflag:s2] =	dma.local @!p0 [hbm:s0], s1  }
0x55: {  	s0 =	simm.s32 @!p0 $0x2  }
0x56: {  	_ =	swait.ge @!p0 [sflag:s0], s1  }
0x57: {  	s1 =	ssub.s32 @!p0 $0x0, s1;
	[sflag:s0] =	ssyncset.done @!p0 $0x0  }
0x58: {  	[sflag:s0] =	ssyncadd.s32 @!p0 s1  }
0x59: {  	[bflag:$0x3] =	sbarrier.arrive $0xFFFF  }
0x5a: {  	_ =	shalt  }

// kernel: kernel.19.cloned.1.call-start
scs
__scs_entry_jumppad:
0x0: {  	(pc) =	sbr.rel $0x88, $3  }
0x1: {  	(tag) =	ssettag $0x0;
	lr =	simm.s32 $0x1  }
0x2: {  	[smem:$0x3F96] =	sst lr;
	_ =	strace $0xD0000000  }
0x3: {  	_ = 	snop  }
0x4: {  	_ = 	snop  }
0x5: {  	_ = 	snop  }
0x6: {  	_ = 	snop  }
0x7: {  	_ = 	snop  }
__scs_overlays_trampoline_lowered:
0x8: {  	[smem:$0x3FA5] =	sst s0  }
0x9: {  	[smem:$0x3FA6] =	sst s1  }
0xa: {  	[smem:$0x3FA7] =	sst s2  }
0xb: {  	[smem:$0x3FA8] =	sst s3  }
0xc: {  	[smem:$0x3FA9] =	sst s4  }
0xd: {  	[smem:$0x3FAA] =	sst s5  }
0xe: {  	[smem:$0x3FAB] =	sst s6  }
0xf: {  	[smem:$0x3FAC] =	sst s7  }
0x10: {  	[smem:$0x3FAD] =	sst s8  }
0x11: {  	[smem:$0x3FAE] =	sst s9;
	s0 =	simm.s32 @!p0 $0x0  }
0x12: {  	s1 =	sld [smem:$0x3F94];
	s0 =	simm.s32 @p0 $0x1  }
0x13: {  	[smem:$0x3FAF] =	sst s0;
	s0 =	simm.s32 @!p1 $0x0  }
0x14: {  	s2 =	sld [smem:$0x3F93];
	s0 =	simm.s32 @p1 $0x1  }
0x15: {  	[smem:$0x3FB0] =	sst s0;
	s0 =	simm.s32 @!p2 $0x0  }
0x16: {  	s3 =	sld [smem:$0x3FDB];
	s0 =	simm.s32 @p2 $0x1  }
0x17: {  	s4 =	simm.s32 $0x1BF5;
	[smem:$0x3FB2] =	sst s0  }
0x18: {  	s0 =	sld [smem:$0x3F95];
	_ =	swait.ge [sflag:s4], $0x0  }
0x19: {  	s7 =	sld [smem:$0x3F96]  }
0x1a: {  	s8 =	sadd.s32 $0xFFFFE003, lr  }
0x1b: {  	s9 =	sadd.s32 $0xFFFFFEF7, lr;
	s5 =	simm.s32 $0xFFFFFFFF;
	p2 =	slt.u32 s8, $0xFFFFF086  }
0x1c: {  	p1 =	slt.u32 s9, $0xF7A;
	s5 =	simm.s32 @!p2 $0x0  }
0x1d: {  	s5 =	simm.s32 @p1 $0x1;
	p0 =	seq.s32 s7, s2  }
0x1e: {  	s7 =	smul.u32 @!p0 $0xF7A, s2;
	p2 =	seq.s32 @!p0 s5, $0x0  }
0x1f: {  	s9 =	smul.u32 $0xF7A, s1;
	s8 =	simm.s32 @!p0 $0x1BF5;
	p2 =	por !p2, p0  }
0x20: {  	[sflag:s8] =	ssyncset.s32 @!p0 $0xFFFFF086;
	s6 =	sadd.s32 @!p0 s3, s7;
	s7 =	simm.s32 @!p0 $0x108  }
0x21: {  	s3 =	sadd.s32 s3, s9;
	s6 =	sadd.s32 @!p0 $0x88, s6;
	s7 =	simm.s32 @p2 $0x1082  }
0x22: {  	[simem:s7], [sflag:s8] =	dma.local @!p0 [hbm:s6], $0xF7A  }
0x23: {  	s9 =	sor.u32 $0xD0000000, s2;
	s6 =	simm.s32 $0x108;
	_ =	swait.ge @!p0 [sflag:s8], $0x0  }
0x24: {  	s3 =	sadd.s32 $0x88, s3;
	s6 =	simm.s32 @!p1 $0x1082;
	[sflag:s4] =	ssyncset.s32 $0xFFFFF086  }
0x25: {  	[simem:s6], [sflag:s4] =	dma.local [hbm:s3], $0xF7A  }
0x26: {  	[smem:$0x3F96] =	sst s1;
	(tag) =	ssettag s2;
	_ =	strace s9  }
0x27: {  	s1 =	sld [smem:$0x3FA6]  }
0x28: {  	s2 =	sld [smem:$0x3FA7]  }
0x29: {  	s4 =	sld [smem:$0x3FA9]  }
0x2a: {  	p0 =	seq.s32 s5, $0x0;
	s5 =	sld [smem:$0x3FAA]  }
0x2b: {  	s6 =	sld [smem:$0x3FAB]  }
0x2c: {  	s7 =	sld [smem:$0x3FAC]  }
0x2d: {  	s3 =	simm.s32 $0x108;
	s8 =	sld [smem:$0x3FAD]  }
0x2e: {  	s3 =	simm.s32 @!p0 $0x1082;
	s9 =	sld [smem:$0x3FAE]  }
0x2f: {  	lr =	sadd.s32 s0, s3;
	s0 =	sld [smem:$0x3FA5]  }
0x30: {  	s3 =	sld [smem:$0x3FA8]  }
0x31: {  	[smem:$0x3FB1] =	sst s10  }
0x32: {  	s10 =	sld [smem:$0x3FAF];
	_ =	sdelay $0x3  }
0x33: {  	p0 =	seq.s32 s10, $0x1;
	s10 =	sld [smem:$0x3FB1];
	_ =	sdelay $0x3  }
0x34: {  	[smem:$0x3FB1] =	sst s10  }
0x35: {  	s10 =	sld [smem:$0x3FB0];
	_ =	sdelay $0x3  }
0x36: {  	p1 =	seq.s32 s10, $0x1;
	s10 =	sld [smem:$0x3FB1];
	_ =	sdelay $0x3  }
0x37: {  	[smem:$0x3FB1] =	sst s10  }
0x38: {  	s10 =	sld [smem:$0x3FB2]  }
0x39: {  	_ = 	snop;
	(pc) =	sbr.ind lr, $3  }
0x3a: {  	_ = 	snop  }
0x3b: {  	_ = 	snop  }
0x3c: {  	p2 =	seq.s32 s10, $0x1;
	s10 =	sld [smem:$0x3FB1]  }
0x3d: {  	_ =	shalt  }
0x3e: {  	_ =	shalt  }
0x3f: {  	_ =	shalt  }
0x40: {  	_ =	shalt  }
0x41: {  	_ =	shalt  }
0x42: {  	_ =	shalt  }
0x43: {  	_ =	shalt  }
0x44: {  	_ =	shalt  }
0x45: {  	_ =	shalt  }
0x46: {  	_ =	shalt  }
0x47: {  	_ =	shalt  }
0x48: {  	_ =	shalt  }
0x49: {  	_ =	shalt  }
0x4a: {  	_ =	shalt  }
0x4b: {  	_ =	shalt  }
0x4c: {  	_ =	shalt  }
0x4d: {  	_ =	shalt  }
0x4e: {  	_ =	shalt  }
0x4f: {  	_ =	shalt  }
0x50: {  	_ =	shalt  }
0x51: {  	_ =	shalt  }
0x52: {  	_ =	shalt  }
0x53: {  	_ =	shalt  }
0x54: {  	_ =	shalt  }
0x55: {  	_ =	shalt  }
0x56: {  	_ =	shalt  }
0x57: {  	_ =	shalt  }
0x58: {  	_ =	shalt  }
0x59: {  	_ =	shalt  }
0x5a: {  	_ =	shalt  }
0x5b: {  	_ =	shalt  }
0x5c: {  	_ =	shalt  }
0x5d: {  	_ =	shalt  }
0x5e: {  	_ =	shalt  }
0x5f: {  	_ =	shalt  }
0x60: {  	_ =	shalt  }
0x61: {  	_ =	shalt  }
0x62: {  	_ =	shalt  }
0x63: {  	_ =	shalt  }
0x64: {  	_ =	shalt  }
0x65: {  	_ =	shalt  }
0x66: {  	_ =	shalt  }
0x67: {  	_ =	shalt  }
0x68: {  	_ =	shalt  }
0x69: {  	_ =	shalt  }
0x6a: {  	_ =	shalt  }
0x6b: {  	_ =	shalt  }
0x6c: {  	_ =	shalt  }
0x6d: {  	_ =	shalt  }
0x6e: {  	_ =	shalt  }
0x6f: {  	_ =	shalt  }
0x70: {  	_ =	shalt  }
0x71: {  	_ =	shalt  }
0x72: {  	_ =	shalt  }
0x73: {  	_ =	shalt  }
0x74: {  	_ =	shalt  }
0x75: {  	_ =	shalt  }
0x76: {  	_ =	shalt  }
0x77: {  	_ =	shalt  }
0x78: {  	_ =	shalt  }
0x79: {  	_ =	shalt  }
0x7a: {  	_ =	shalt  }
0x7b: {  	_ =	shalt  }
0x7c: {  	_ =	shalt  }
0x7d: {  	_ =	shalt  }
0x7e: {  	_ =	shalt  }
0x7f: {  	_ =	shalt  }
0x80: {  	_ =	shalt  }
0x81: {  	_ =	shalt  }
0x82: {  	_ =	shalt  }
0x83: {  	_ =	shalt  }
0x84: {  	_ =	shalt  }
0x85: {  	_ =	shalt  }
0x86: {  	_ =	shalt  }
0x87: {  	_ =	shalt  }
.Lfunc_end0:
.L_simem_size_0:
called_computation.3_lowered:
.L_overlay_start_0:
0x88: {  	s2 =	sld [smem:$0x3FD9]  }
0x89: {  	s3 =	sld [smem:$0x3FFE];
	_ =	sdelay $0x1  }
0x8a: {  	s1 =	srdreg.scid  }
0x8b: {  	s0 =	sand.u32 $0x1, s1  }
0x8c: {  	s16 =	sshll.u32 s0, $0xA;
	s2 =	sadd.s32 s3, s2  }
0x8d: {  	s2 =	sadd.s32 s2, s16  }
0x8e: {  	[smem:$0x3FBD] =	sst s2  }
0x8f: {  	_ = 	snop  }
0x90: {  	(tm) =	ssettm $0x1  }
0x91: {  	s17 =	sld [smem:$0x3FFB];
	_ =	sdelay $0x3  }
0x92: {  	_ =	strace s17  }
0x93: {  	s2 =	sld [smem:$0x3FFC];
	_ =	sdelay $0x3  }
0x94: {  	_ =	strace s2  }
0x95: {  	s2 =	sld [smem:$0x3FFD];
	_ =	sdelay $0x3  }
0x96: {  	_ =	strace s2  }
0x97: {  	_ =	strace $0x8FFFFFFF  }
0x98: {  	s18 =	sld [smem:$0x3FDB];
	_ =	sdelay $0x1  }
0x99: {  	s19 =	simm.s32 $_scs_section_size  }
0x9a: {  	s4 =	simm.s32 $_size__tile_overlayer_lowered;
	s5 =	simm.s32 $_tile_overlayer_lowered  }
0x9b: {  	s22 =	simm.s32 $0x1BFF;
	s21 =	sshll.u32 s5, $0x1;
	s2 =	sadd.s32 s19, s18  }
0x9c: {  	s6 =	simm.s32 $0x0;
	s20 =	sshll.u32 s4, $0x1;
	s4 =	sadd.s32 s21, s2  }
0x9d: {  	[timem:s6], [sflag:s22] =	dma.local [hbm:s4], s20  }
0x9e: {  	_ =	swait.ge [sflag:s22], s20  }
0x9f: {  	s3 =	ssub.s32 $0x0, s20;
	[sflag:s22] =	ssyncset.done $0x0  }
0xa0: {  	[sflag:s22] =	ssyncadd.s32 s3;
	_ =	sdelay $0x1  }
0xa1: {  	s23 =	simm.s32 $0x1B8B  }
0xa2: {  	_ =	swait.ge [sflag:s23], $0x1  }
0xa3: {  	[sflag:s23] =	ssyncset.done $0x0  }
0xa4: {  	s25 =	simm.s32 $0x1B8E;
	s24 =	sld [smem:$0x3FFE];
	[sflag:s23] =	ssyncadd.s32 $0xFFFFFFFF  }
0xa5: {  	s26 =	simm.s32 $execute0_lowered;
	[smem:$0x3FD2] =	sst s25  }
0xa6: {  	s4 =	sshll.u32 s26, $0x1;
	_ =	strace $0x8000004F;
	[dreg:$0x1] =	wrdreg $0xFFFFFFFF  }
0xa7: {  	s28 =	simm.s32 $_size_execute0_lowered;
	s2 =	sadd.s32 s2, s4;
	[dreg:$0x0] =	wrdreg $0x0  }
0xa8: {  	s4 =	sshll.u32 s28, $0x1;
	[dreg:$0x2] =	wrdreg s2  }
0xa9: {  	[dreg:$0x3] =	wrdreg s4  }
0xaa: {  	[dreg:$0x4] =	wrdreg $0xC0  }
0xab: {  	_ =	task [dreg:s6], $0x5FFFF  }
0xac: {  	[dreg:$0x1] =	wrdreg $0xFFFFFFFF  }
0xad: {  	[dreg:$0x0] =	wrdreg $0x60  }
0xae: {  	[dreg:$0x2] =	wrdreg s24  }
0xaf: {  	[dreg:$0x3] =	wrdreg $0x0  }
0xb0: {  	[dreg:$0x4] =	wrdreg $0x9  }
0xb1: {  	_ =	task.clear_ibuf [dreg:s6], $0x5FFFF;
	_ =	strace $0x9000004F  }
0xb2: {  	s29 =	simm.s32 $0x9;
	_ =	strace $0x80000051  }
0xb3: {  	_ =	swait.ge [sflag:s29], $0x1  }
0xb4: {  	[sflag:s29] =	ssyncadd.s32 $0xFFFFFFFF  }
0xb5: {  	_ =	strace $0x90000051  }
0xb6: {  	_ =	sfence  }
0xb7: {  	s30 =	sld [smem:$0x0];
	_ =	sdelay $0x2  }
0xb8: {  	s31 =	sshll.u32 s1, $0xD;
	s1 =	sshrl.u32 s1, $0x2  }
0xb9: {  	s3 =	sand.u32 $0x4000, s31;
	s1 =	sadd.s32 s1, s30  }
0xba: {  	s0 =	sor.u32 s3, s0;
	s1 =	sshll.u32 s1, $0x11  }
0xbb: {  	s0 =	sor.u32 s1, s0  }
0xbc: {  	s0 =	sadd.s32 $0x8F2B, s0  }
0xbd: {  	[sflag:s0] =	ssyncadd.remote.s32 $0x1  }
0xbe: {  	_ =	sfence.sel $0xFFFF  }
0xbf: {  	[dreg:$0x0] =	wrdreg $0xFFFFFFFF;
	(pc) =	sbr.abs _section_cstart, $3  }
0xc0: {  	[dreg:$0x1] =	wrdreg $0xFFFFFFFF  }
0xc1: {  	_ =	task.clear_ibuf [dreg:s6], $0x2FFFF;
	_ =	strace $0x9FFFFFFF  }
0xc2: {  	(tm) =	ssettm $0x7FFFFFFF  }
0xc3: {  	_ =	shalt  }
tec
execute0_lowered:
.L_overlay_start_1:
0x0: {  	(tag) =	ssettag $0x1  }
0x1: {  	s6 =	rddreg [dreg:$0x0]  }
0x2: {  	s0 =	srdreg.scid;
	s2 =	rddreg [dreg:$0x1]  }
0x3: {  	s1 =	rddreg [dreg:$0x2];
	s7 =	sand.u32 $0x1, s0  }
0x4: {  	s3 =	simm.s32 $0x0;
	s0 =	stileid.u32;
	s4 =	smul.u32 $0x27100, s7  }
0x5: {  	s14 =	simm.s32 $0x14080;
	s15 =	simm.s32 $0x50;
	s5 =	smul.u32 $0x2710, s0  }
0x6: {  	s16 =	simm.s32 $0x14100;
	s17 =	simm.s32 $0x1;
	s8 =	smul.u32 $0x140000, s7  }
0x7: {  	s18 =	simm.s32 $0x0;
	[smem:$0x7FF] =	sst s3;
	s9 =	smul.u32 $0x14000, s0  }
0x8: {  	_ =	strace $0x80000050;
	s30 =	smul.u32 $0x50000, s0;
	s31 =	ssub.s32 $0x2, s7  }
0x9: {  	s11 =	sshll.u32 s0, $0x6;
	s7 =	sshrl.u32 s31, $0x1;
	s5 =	sadd.s32 s5, s4  }
0xa: {  	s4 =	sadd.s32 $0x16400, s6;
	s8 =	sadd.s32 s9, s8;
	s9 =	sshrl.u32 s30, $0x2  }
0xb: {  	s12 =	ssub.s32 s31, s7;
	s5 =	sshrl.u32 s5, $0x3;
	s8 =	sshrl.u32 s8, $0x3  }
0xc: {  	s13 =	sadd.s32 s9, s2;
	s10 =	sadd.s32 s5, s6;
	s5 =	sadd.s32 $0x3D600, s6  }
0xd: {  	s8 =	sadd.s32 s8, s6;
	s6 =	sor.u32 $0x1C02, s11;
	s11 =	sshrl.u32 s13, $0x3  }
0xe: {  	s13 =	simm.s32 $0x14000;
	s7 =	sadd.s32 $0x3FE00, s8;
	s8 =	smax.u32 s12, $0x1  }
0xf: {  	s9 =	sadd.s32 $0x2800, s10;
	s10 =	sadd.s32 $0xC600, s10;
	s12 =	simm.s32 $0x2  }
.LBB2_1:
0x10: {  	[spmem:s11], [sflag:s6] =	dma.local [hbm:s5], $0x2800  }
0x11: {  	_ =	swait.ge [sflag:s12], $0x2800  }
0x12: {  	[sflag:s12] =	ssyncset.done $0x0  }
0x13: {  	[sflag:s12] =	ssyncadd.s32 $0xFFFFD800  }
0x14: {  	s19 =	sadd.s32 $0x0, s10;
	[bflag:$0x0] =	sbarrier.arrive $0xFFFF  }
0x15: {  	[tilespmem:s13], [sflag:$0x2] =	stream.linear.gather [hbm4b:s19+s3], $0x50, $0x38;
	[tilespmem:$0x16900] =	vst v63  }
0x16: {  	_ =	swait.ge [sflag:s12], $0x50  }
0x17: {  	[sflag:s12] =	ssyncset.done $0x0  }
0x18: {  	s31 =	sadd.s32 $0x0, s9;
	[sflag:s12] =	ssyncadd.s32 $0xFFFFFFB0  }
0x19: {  	[tilespmem:s14], [sflag:$0x2] =	stream.linear.gather [hbm4b:s31+s3], $0x50, $0x38;
	[tilespmem:$0x16900] =	vst v63  }
0x1a: {  	_ =	swait.ge [sflag:s12], $0x50  }
0x1b: {  	[sflag:s12] =	ssyncset.done $0x0  }
0x1c: {  	[sflag:s12] =	ssyncadd.s32 $0xFFFFFFB0  }
0x1d: {  	[tilespmem:s16], [sflag:$0x1] =	stream.indirect.gather [hbm4b:s4+s15], $0x80, s13, s15, $0xb8;
	[tilespmem:$0x16900] =	vst v63  }
0x1e: {  	_ =	swait.ge [sflag:s17], $0x2800  }
0x1f: {  	[sflag:s17] =	ssyncset.done $0x0  }
0x20: {  	[sflag:s17] =	ssyncadd.s32 $0xFFFFD800  }
0x21: {  	[spmem:s2] =	stream.indirect.scatter.add.f32 [tilespmem:s16], [sflag:$0x2], $0x80, s14, s15, $0xb8;
	[tilespmem:$0x16900] =	vst v63  }
0x22: {  	_ =	swait.ge [sflag:s12], $0x2800  }
0x23: {  	s20 =	simm.s32 $0x14;
	s19 =	simm.s32 $0xA;
	[sflag:s12] =	ssyncset.done $0x0  }
.LBB2_2:
0x24: {  	s21 =	sadd.s32 s19, s10  }
0x25: {  	[sflag:s12] =	ssyncadd.s32 $0xFFFFD800;
	s22 =	smov.u32 s20;
	s23 =	sadd.s32 $0xA, s20  }
0x26: {  	[tilespmem:s13], [sflag:$0x2] =	stream.linear.gather [hbm4b:s21+s3], $0x50, $0x38;
	[tilespmem:$0x16900] =	vst v63  }
0x27: {  	p0 =	sne.s32 s20, $0x4D8;
	_ =	swait.ge [sflag:s12], $0x50  }
0x28: {  	[sflag:s12] =	ssyncset.done $0x0  }
0x29: {  	s20 =	sadd.s32 s19, s9;
	s19 =	smov.u32 s22;
	[sflag:s12] =	ssyncadd.s32 $0xFFFFFFB0  }
0x2a: {  	[tilespmem:s14], [sflag:$0x2] =	stream.linear.gather [hbm4b:s20+s3], $0x50, $0x38;
	[tilespmem:$0x16900] =	vst v63  }
0x2b: {  	_ =	swait.ge [sflag:s12], $0x50  }
0x2c: {  	[sflag:s12] =	ssyncset.done $0x0  }
0x2d: {  	[sflag:s12] =	ssyncadd.s32 $0xFFFFFFB0  }
0x2e: {  	[tilespmem:s16], [sflag:$0x1] =	stream.indirect.gather [hbm4b:s4+s15], $0x80, s13, s15, $0xb8;
	[tilespmem:$0x16900] =	vst v63  }
0x2f: {  	_ =	swait.ge [sflag:s17], $0x2800  }
.Ltmp0:
0x30: {  	[sflag:s17] =	ssyncset.done $0x0;
	(pc) =	sbr.rel @p0 .LBB2_2-.Ltmp0, $4  }
0x31: {  	[sflag:s17] =	ssyncadd.s32 $0xFFFFD800  }
0x32: {  	[spmem:s2] =	stream.indirect.scatter.add.f32 [tilespmem:s16], [sflag:$0x2], $0x80, s14, s15, $0xb8;
	[tilespmem:$0x16900] =	vst v63  }
0x33: {  	_ =	swait.ge [sflag:s12], $0x2800  }
0x34: {  	s20 =	smov.u32 s23;
	[sflag:s12] =	ssyncset.done $0x0  }
0x35: {  	s20 =	sadd.s32 s19, s10;
	[sflag:s12] =	ssyncadd.s32 $0xFFFFD800  }
0x36: {  	[tilespmem:s13], [sflag:$0x2] =	stream.linear.gather [hbm4b:s20+s3], $0x50, $0x38;
	[tilespmem:$0x16900] =	vst v63  }
0x37: {  	_ =	swait.ge [sflag:s12], $0x50  }
0x38: {  	[sflag:s12] =	ssyncset.done $0x0  }
0x39: {  	s31 =	sadd.s32 s19, s9;
	[sflag:s12] =	ssyncadd.s32 $0xFFFFFFB0  }
0x3a: {  	[tilespmem:s14], [sflag:$0x2] =	stream.linear.gather [hbm4b:s31+s3], $0x50, $0x38;
	[tilespmem:$0x16900] =	vst v63  }
0x3b: {  	_ =	swait.ge [sflag:s12], $0x50  }
0x3c: {  	[sflag:s12] =	ssyncset.done $0x0  }
0x3d: {  	[sflag:s12] =	ssyncadd.s32 $0xFFFFFFB0  }
0x3e: {  	[tilespmem:s16], [sflag:$0x1] =	stream.indirect.gather [hbm4b:s4+s15], $0x80, s13, s15, $0xb8;
	[tilespmem:$0x16900] =	vst v63  }
0x3f: {  	_ =	swait.ge [sflag:s17], $0x2800  }
0x40: {  	[sflag:s17] =	ssyncset.done $0x0  }
0x41: {  	[sflag:s17] =	ssyncadd.s32 $0xFFFFD800  }
0x42: {  	[spmem:s2] =	stream.indirect.scatter.add.f32 [tilespmem:s16], [sflag:$0x2], $0x80, s14, s15, $0xb8;
	[tilespmem:$0x16900] =	vst v63  }
0x43: {  	_ =	swait.ge [sflag:s12], $0x2800  }
0x44: {  	s18 =	sadd.s32 $0x1, s18;
	[sflag:s12] =	ssyncset.done $0x0  }
0x45: {  	p0 =	sne.s32 s18, s8;
	[sflag:s12] =	ssyncadd.s32 $0xFFFFD800  }
.Ltmp1:
0x46: {  	[bflag:$0x0] =	sbarrier.arrive $0xFFFF;
	(pc) =	sbr.rel @p0 .LBB2_1-.Ltmp1, $4  }
0x47: {  	[hbm:s7], [sflag:s6] =	dma.local [spmem:s11], $0x2800  }
0x48: {  	_ =	swait.ge [sflag:s12], $0x2800  }
0x49: {  	[sflag:s12] =	ssyncset.done $0x0  }
0x4a: {  	[sflag:s12] =	ssyncadd.s32 $0xFFFFD800  }
0x4b: {  	_ =	sfence.sel $0x180000  }
0x4c: {  	[bflag:$0x0] =	sbarrier.arrive $0xFFFF  }
0x4d: {  	p0 =	sne.s32 s0, $0x0;
	_ =	strace $0x90000050  }
0x4e: {  	s0 =	sadd.s32 @!p0 $0x100000, s1;
	[bflag:$0x2] =	sbarrier.arrive $0xFFFF  }
0x4f: {  	[sflag:s0] =	ssyncadd.tile.s32 @!p0 $0x1;
	_ =	shalt  }
.Lfunc_end2:
_tile_overlayer_lowered:
.L_overlay_start_2:
0x50: {  	(tag) =	ssettag $0x2  }
0x51: {  	s0 =	rddreg [dreg:$0x0];
	s2 =	stileid.u32  }
0x52: {  	s1 =	rddreg [dreg:$0x1];
	p0 =	sne.s32 s2, $0x0  }
0x53: {  	s3 =	rddreg [dreg:$0x2];
	[bflag:$0x3] =	sbarrier.arrive $0xFFFF;
	s2 =	simm.s32 @!p0 $0x1C02  }
0x54: {  	[timem:s3], [sflag:s2] =	dma.local @!p0 [hbm:s0], s1  }
0x55: {  	s0 =	simm.s32 @!p0 $0x2  }
0x56: {  	_ =	swait.ge @!p0 [sflag:s0], s1  }
0x57: {  	s1 =	ssub.s32 @!p0 $0x0, s1;
	[sflag:s0] =	ssyncset.done @!p0 $0x0  }
0x58: {  	[sflag:s0] =	ssyncadd.s32 @!p0 s1  }
0x59: {  	[bflag:$0x3] =	sbarrier.arrive $0xFFFF  }
0x5a: {  	_ =	shalt  }

</sc_bundles>
